<compile_context>
chip_gen: v7x
topology: tpu7x:2x2x1
jax: 0.10.2.dev20260603
libtpu: 0.0.44.dev20260713+nightly
codegen_flags: <defaults>
</compile_context>

<pallas_src>
import jax
import jax.numpy as jnp
from jax import lax
from jax.experimental import pallas as pl
from jax.experimental.pallas import tpu as pltpu
from jax.experimental.pallas import tpu_sc as plsc

N = 10000
E = 320000
D = 128
H = 8
DH = 16
FF = 4 * D

NC = 2
NS = 16
NW = NC * NS
EPW = E // NW
CHUNK = 80
NCHUNK = EPW // CHUNK
N_PAD = 10240
DEN_ROWS = N_PAD // 16
ACC_ROWS = N_PAD + DEN_ROWS
RPS = ACC_ROWS // NS


def _ln(xb, w):
    mu = jnp.mean(xb, axis=1, keepdims=True)
    d = xb - mu
    var = jnp.mean(d * d, axis=1, keepdims=True)
    return d * lax.rsqrt(var + 1e-5) * w


def _pre_body(x_ref, w1_ref, wl_ref, bl_ref, wr_ref, br_ref, xl_ref, xr_ref):
    hb = _ln(x_ref[...], w1_ref[...])
    xl_ref[...] = jnp.dot(hb, wl_ref[...], preferred_element_type=jnp.float32) + bl_ref[...]
    xr_ref[...] = jnp.dot(hb, wr_ref[...], preferred_element_type=jnp.float32) + br_ref[...]


def _pre(x, ln1_w, Wl, bl, Wr, br):
    bp = 2000
    grid = (N // bp,)
    return pl.pallas_call(
        _pre_body,
        grid=grid,
        in_specs=[
            pl.BlockSpec((bp, D), lambda i: (i, 0)),
            pl.BlockSpec((1, D), lambda i: (0, 0)),
            pl.BlockSpec((D, D), lambda i: (0, 0)),
            pl.BlockSpec((1, D), lambda i: (0, 0)),
            pl.BlockSpec((D, D), lambda i: (0, 0)),
            pl.BlockSpec((1, D), lambda i: (0, 0)),
        ],
        out_specs=[
            pl.BlockSpec((bp, D), lambda i: (i, 0)),
            pl.BlockSpec((bp, D), lambda i: (i, 0)),
        ],
        out_shape=[
            jax.ShapeDtypeStruct((N, D), jnp.float32),
            jax.ShapeDtypeStruct((N, D), jnp.float32),
        ],
    )(x, ln1_w.reshape(1, D), Wl, bl.reshape(1, D), Wr, br.reshape(1, D))


def _sc_body(xl_hbm, xr_hbm, src_hbm, dst_hbm, att_hbm,
             acc_out,
             att_v, src_v, dst_v, dstx_v, didx_v, xl_v, xr_v, msg_v, den_v,
             acc_sh, gsem0, gsem1):
    cid = lax.axis_index("c")
    sid = lax.axis_index("s")
    wid = cid * NS + sid

    zeros16 = jnp.zeros((DH,), jnp.float32)

    def mz(i, c):
        for k in range(D // DH):
            msg_v[i, pl.ds(k * DH, DH)] = zeros16
            den_v[i, pl.ds(k * DH, DH)] = zeros16
        return c
    lax.fori_loop(0, CHUNK, mz, 0)

    for j in range(RPS // CHUNK):
        pltpu.sync_copy(msg_v, acc_sh.at[pl.ds(sid * RPS + j * CHUNK, CHUNK)])
    rem = RPS - (RPS // CHUNK) * CHUNK
    if rem:
        pltpu.sync_copy(
            msg_v.at[pl.ds(0, rem)],
            acc_sh.at[pl.ds(sid * RPS + (RPS // CHUNK) * CHUNK, rem)])
    plsc.subcore_barrier()

    pltpu.sync_copy(att_hbm, att_v)
    att_rows = [att_v[h, :] for h in range(H)]

    lane = lax.iota(jnp.int32, DH)
    perms = [lane ^ k for k in (1, 2, 4, 8)]

    def chunk_body(i, c):
        base = wid * EPW + i * CHUNK
        pltpu.sync_copy(src_hbm.at[pl.ds(base, CHUNK)], src_v)
        pltpu.sync_copy(dst_hbm.at[pl.ds(base, CHUNK)], dst_v)
        pltpu.sync_copy(dst_hbm.at[pl.ds(base, CHUNK)],
                        dstx_v.at[pl.ds(0, CHUNK)])
        cp0 = pltpu.async_copy(xl_hbm.at[src_v], xl_v, gsem0)
        cp1 = pltpu.async_copy(xr_hbm.at[dst_v], xr_v, gsem1)

        for g in range(CHUNK // DH):
            d16 = dstx_v[pl.ds(g * DH, DH)]
            didx_v[pl.ds(g * DH, DH)] = N_PAD + (d16 >> 4)

        cp0.wait()
        cp1.wait()

        def edge_body(e, c2):
            pvec = zeros16
            for h in range(H):
                zl = xl_v[e, pl.ds(h * DH, DH)]
                zr = xr_v[e, pl.ds(h * DH, DH)]
                z = zl + zr
                lk = jnp.maximum(z, z * 0.2)
                s = lk * att_rows[h]
                for pm in perms:
                    s = s + s.at[pm].get(mode="promise_in_bounds")
                p = jnp.exp(s)
                msg_v[e, pl.ds(h * DH, DH)] = zl * p
                pvec = jnp.where(lane == h, p, pvec)
            dst_s = dstx_v[pl.ds(e, DH)][0]
            pvec_hi = pvec.at[lane ^ 8].get(mode="promise_in_bounds")
            pv2 = jnp.where((dst_s & 1) == 1, pvec_hi, pvec)
            den_v[e, pl.ds((dst_s & 14) * 8, DH)] = pv2
            return c2

        lax.fori_loop(0, CHUNK, edge_body, 0)
        pltpu.sync_copy(msg_v, acc_sh.at[dst_v], add=True)
        pltpu.sync_copy(den_v, acc_sh.at[didx_v], add=True)

        def rz(e, c2):
            dst_s = dstx_v[pl.ds(e, DH)][0]
            den_v[e, pl.ds((dst_s & 14) * 8, DH)] = zeros16
            return c2
        lax.fori_loop(0, CHUNK, rz, 0)
        return c

    lax.fori_loop(0, NCHUNK, chunk_body, 0)
    plsc.subcore_barrier()

    pltpu.sync_copy(acc_sh.at[pl.ds(sid * RPS, RPS)],
                    acc_out.at[cid, pl.ds(sid * RPS, RPS)])


def _sc_edges(xl, xr, src, dst, att):
    mesh = plsc.VectorSubcoreMesh(core_axis_name="c", subcore_axis_name="s")
    f = pl.kernel(
        _sc_body,
        out_type=jax.ShapeDtypeStruct((NC, ACC_ROWS, D), jnp.float32),
        mesh=mesh,
        scratch_types=[
            pltpu.VMEM((H, DH), jnp.float32),
            pltpu.VMEM((CHUNK,), jnp.int32),
            pltpu.VMEM((CHUNK,), jnp.int32),
            pltpu.VMEM((CHUNK + DH,), jnp.int32),
            pltpu.VMEM((CHUNK,), jnp.int32),
            pltpu.VMEM((CHUNK, D), jnp.float32),
            pltpu.VMEM((CHUNK, D), jnp.float32),
            pltpu.VMEM((CHUNK, D), jnp.float32),
            pltpu.VMEM((CHUNK, D), jnp.float32),
            pltpu.VMEM_SHARED((ACC_ROWS, D), jnp.float32),
            pltpu.SemaphoreType.DMA,
            pltpu.SemaphoreType.DMA,
        ],
    )
    return f(xl, xr, src, dst, att)


def _post_body(x_ref, a0_ref, a1_ref, d0_ref, d1_ref, ab_ref, w2_ref, wfc_ref,
               wproj_ref, y_ref):
    num = a0_ref[...] + a1_ref[...]
    den = d0_ref[...] + d1_ref[...]
    heads = jax.lax.broadcasted_iota(jnp.int32, (H, D), 1) // DH
    expand = (jax.lax.broadcasted_iota(jnp.int32, (H, D), 0) == heads)
    den_bc = jnp.dot(den, expand.astype(jnp.float32),
                     preferred_element_type=jnp.float32)
    gat = num / (den_bc + 1e-16) + ab_ref[...]
    x2 = x_ref[...] + gat
    h2 = _ln(x2, w2_ref[...])
    f = jnp.dot(h2, wfc_ref[...], preferred_element_type=jnp.float32)
    g = 0.5 * f * (1.0 + lax.erf(f * 0.70710678118654752))
    y_ref[...] = x2 + jnp.dot(g, wproj_ref[...], preferred_element_type=jnp.float32)


def _post(x, a0, a1, d0, d1, attn_bias, ln2_w, W_fc, W_proj):
    bp = 2000
    grid = (N // bp,)
    return pl.pallas_call(
        _post_body,
        grid=grid,
        in_specs=[
            pl.BlockSpec((bp, D), lambda i: (i, 0)),
            pl.BlockSpec((bp, D), lambda i: (i, 0)),
            pl.BlockSpec((bp, D), lambda i: (i, 0)),
            pl.BlockSpec((bp, H), lambda i: (i, 0)),
            pl.BlockSpec((bp, H), lambda i: (i, 0)),
            pl.BlockSpec((1, D), lambda i: (0, 0)),
            pl.BlockSpec((1, D), lambda i: (0, 0)),
            pl.BlockSpec((D, FF), lambda i: (0, 0)),
            pl.BlockSpec((FF, D), lambda i: (0, 0)),
        ],
        out_specs=pl.BlockSpec((bp, D), lambda i: (i, 0)),
        out_shape=jax.ShapeDtypeStruct((N, D), jnp.float32),
    )(x, a0, a1, d0, d1, attn_bias.reshape(1, D), ln2_w.reshape(1, D),
      W_fc, W_proj)


def kernel(x, edges_idx, ln1_w, Wl, bl, Wr, br, att, attn_bias, ln2_w, W_fc, W_proj):
    assert x.shape == (N, D) and edges_idx.shape == (2, E)
    edges = edges_idx.astype(jnp.int32)
    xl, xr = _pre(x, ln1_w, Wl, bl, Wr, br)
    acc = _sc_edges(xl, xr, edges[0], edges[1], att)
    num0 = acc[0, :N]
    num1 = acc[1, :N]
    den = acc[:, N_PAD:, :].reshape(NC, N_PAD, H)[:, :N, :]
    return _post(x, num0, num1, den[0], den[1],
                 attn_bias, ln2_w, W_fc, W_proj)

# --- scband reference (transcript-rebuilt; emitter-appended) ---
"""Pipeline reference for scband-gatblock-31147102831290 (READ-ONLY COPY).

The authoritative reference and input builder live on the scoring server;
editing this copy changes nothing except your own understanding.
"""

import jax, jax.numpy as jnp
import numpy as np

N = 10000
E = 320000
D = 128
H = 8
DH = 16
FF = 4 * D


def setup_inputs(seed: int = 0):
    key = jax.random.key(seed)
    ks = jax.random.split(key, 10)
    inp = {}
    inp["x"] = jax.random.normal(ks[0], (N, D), dtype=jnp.float32)
    inp["edges_idx"] = jax.random.randint(ks[1], (2, E), 0, N)
    inp["ln1_w"] = jnp.ones((D,), jnp.float32)
    inp["Wl"] = jax.random.normal(ks[2], (D, H * DH), jnp.float32) / np.sqrt(D)
    inp["bl"] = jnp.zeros((H * DH,), jnp.float32)
    inp["Wr"] = jax.random.normal(ks[3], (D, H * DH), jnp.float32) / np.sqrt(D)
    inp["br"] = jnp.zeros((H * DH,), jnp.float32)
    inp["att"] = jax.random.normal(ks[4], (H, DH), jnp.float32) * 0.1
    inp["attn_bias"] = jnp.zeros((D,), jnp.float32)
    inp["ln2_w"] = jnp.ones((D,), jnp.float32)
    inp["W_fc"] = jax.random.normal(ks[5], (D, FF), jnp.float32) / np.sqrt(D)
    inp["W_proj"] = jax.random.normal(ks[6], (FF, D), jnp.float32) / np.sqrt(FF)
    return inp


def _layer_norm(x, w):
    mu = jnp.mean(x, axis=-1, keepdims=True)
    var = jnp.mean((x - mu) ** 2, axis=-1, keepdims=True)
    return (x - mu) / jnp.sqrt(var + 1e-5) * w


def _gatv2(h, edges_idx, Wl, bl, Wr, br, att, attn_bias):
    # GATv2Conv (PyG semantics): lin_l on source, lin_r on target,
    # score = sum(att * leaky_relu(x_i + x_j)), softmax over incoming edges per dst,
    # out = segment_sum(alpha * x_j), concat heads, + bias.
    src = edges_idx[0]
    dst = edges_idx[1]
    xl = (h @ Wl + bl).reshape(N, H, DH)
    xr = (h @ Wr + br).reshape(N, H, DH)
    xj = xl[src]                       # [E, H, DH] gather (source/messages)
    xi = xr[dst]                       # [E, H, DH] gather (target)
    e = jax.nn.leaky_relu(xi + xj, negative_slope=0.2)
    score = jnp.sum(e * att[None, :, :], axis=-1)          # [E, H]
    m = jax.ops.segment_max(score, dst, num_segments=N)    # [N, H]
    m = jnp.where(jnp.isfinite(m), m, 0.0)
    p = jnp.exp(score - m[dst])
    denom = jax.ops.segment_sum(p, dst, num_segments=N)
    alpha = p / (denom[dst] + 1e-16)                        # [E, H]
    out = jax.ops.segment_sum(alpha[:, :, None] * xj, dst, num_segments=N)
    return out.reshape(N, H * DH) + attn_bias


def _forward(x, edges_idx, ln1_w, Wl, bl, Wr, br, att, attn_bias, ln2_w, W_fc, W_proj):
    x = x + _gatv2(_layer_norm(x, ln1_w), edges_idx, Wl, bl, Wr, br, att, attn_bias)
    h = _layer_norm(x, ln2_w)
    h = jax.nn.gelu(h @ W_fc, approximate=False) @ W_proj  # dropout is identity in eval
    return x + h


def reference(x, edges_idx, ln1_w, Wl, bl, Wr, br, att, attn_bias, ln2_w, W_fc, W_proj):
    return _forward(x, edges_idx, ln1_w, Wl, bl, Wr, br, att, attn_bias, ln2_w, W_fc, W_proj)

if __name__ == "__main__":
    import jax
    _d = setup_inputs()
    print(jax.jit(kernel)(*tuple(_d.values())))

</pallas_src>

<mosaic_0001>
#map = affine_map<(d0, d1) -> (0, 0)>
#map1 = affine_map<(d0, d1) -> (0)>
#map2 = affine_map<(d0, d1) -> (0, 0, 0)>
module attributes {stable_mosaic.version = 14 : i64} {
  func.func @_sc_body(%arg0: i32, %arg1: i32, %arg2: memref<10000x128xf32, #tpu.memory_space<hbm>>, %arg3: memref<10000x128xf32, #tpu.memory_space<hbm>>, %arg4: memref<320000xi32, #tpu.memory_space<hbm>>, %arg5: memref<320000xi32, #tpu.memory_space<hbm>>, %arg6: memref<8x16xf32, #tpu.memory_space<hbm>>, %arg7: memref<2x10880x128xf32, #tpu.memory_space<hbm>>, %arg8: memref<8x16xf32, #tpu.memory_space<vmem>>, %arg9: memref<80xi32, #tpu.memory_space<vmem>>, %arg10: memref<80xi32, #tpu.memory_space<vmem>>, %arg11: memref<96xi32, #tpu.memory_space<vmem>>, %arg12: memref<80xi32, #tpu.memory_space<vmem>>, %arg13: memref<80x128xf32, #tpu.memory_space<vmem>>, %arg14: memref<80x128xf32, #tpu.memory_space<vmem>>, %arg15: memref<80x128xf32, #tpu.memory_space<vmem>>, %arg16: memref<80x128xf32, #tpu.memory_space<vmem>>, %arg17: memref<10880x128xf32, #tpu.memory_space<vmem_shared>>, %arg18: memref<!tpu.dma_semaphore, #tpu.memory_space<semaphore_mem>>, %arg19: memref<!tpu.dma_semaphore, #tpu.memory_space<semaphore_mem>>) attributes {dimension_semantics = [#tpu.dimension_semantics<core_parallel>, #tpu.dimension_semantics<subcore_parallel>], iteration_bounds = array<i64: 2, 16>, scalar_prefetch = 0 : i64, scratch_operands = 12 : i64, tpu.core_type = #tpu.core_type<sc_vector_subcore>, window_params = [{transform_indices = #map}, {transform_indices = #map}, {transform_indices = #map1}, {transform_indices = #map1}, {transform_indices = #map}, {transform_indices = #map2}]} {
    %mul3A = arith.constant 16 : i32
    %mul3A_0 = arith.muli %arg0, %mul3A : i32
    %add3A = arith.addi %mul3A_0, %arg1 : i32
    %broadcast_in_dim3A = arith.constant 0.000000e+00 : f32
    %broadcast_in_dim3A_1 = vector.broadcast %broadcast_in_dim3A : f32 to vector<16xf32>
    %scan3A = arith.constant 0 : i32
    %scan3A_2 = arith.constant 0 : i32
    %scan3A_3 = arith.constant 80 : i32
    %scan3A_4 = arith.addi %scan3A_2, %scan3A_3 : i32
    %scan3A_5 = arith.constant 1 : i32
    scf.for %scan3A_104 = %scan3A_2 to %scan3A_4 step %scan3A_5  : i32 {
      %swap3A = arith.index_cast %scan3A_104 : i32 to index
      %swap3A_105 = arith.constant 0 : index
      %swap3A_106 = tpu.vector_load %arg15[%swap3A, %swap3A_105] {strides = array<i32>} : memref<80x128xf32, #tpu.memory_space<vmem>>, vector<1x16xf32>,
      %swap3A_107 = vector.shape_cast %swap3A_106 : vector<1x16xf32> to vector<16xf32>
      %swap3A_108 = vector.shape_cast %broadcast_in_dim3A_1 : vector<16xf32> to vector<1x16xf32>
      tpu.vector_store %arg15[%swap3A, %swap3A_105], %swap3A_108 {strides = array<i32>} : memref<80x128xf32, #tpu.memory_space<vmem>>, vector<1x16xf32>,
      %swap3A_109 = arith.index_cast %scan3A_104 : i32 to index
      %swap3A_110 = arith.constant 0 : index
      %swap3A_111 = tpu.vector_load %arg16[%swap3A_109, %swap3A_110] {strides = array<i32>} : memref<80x128xf32, #tpu.memory_space<vmem>>, vector<1x16xf32>,
      %swap3A_112 = vector.shape_cast %swap3A_111 : vector<1x16xf32> to vector<16xf32>
      %swap3A_113 = vector.shape_cast %broadcast_in_dim3A_1 : vector<16xf32> to vector<1x16xf32>
      tpu.vector_store %arg16[%swap3A_109, %swap3A_110], %swap3A_113 {strides = array<i32>} : memref<80x128xf32, #tpu.memory_space<vmem>>, vector<1x16xf32>,
      %swap3A_114 = arith.index_cast %scan3A_104 : i32 to index
      %swap3A_115 = arith.constant 16 : index
      %swap3A_116 = tpu.vector_load %arg15[%swap3A_114, %swap3A_115] {strides = array<i32>} : memref<80x128xf32, #tpu.memory_space<vmem>>, vector<1x16xf32>,
      %swap3A_117 = vector.shape_cast %swap3A_116 : vector<1x16xf32> to vector<16xf32>
      %swap3A_118 = vector.shape_cast %broadcast_in_dim3A_1 : vector<16xf32> to vector<1x16xf32>
      tpu.vector_store %arg15[%swap3A_114, %swap3A_115], %swap3A_118 {strides = array<i32>} : memref<80x128xf32, #tpu.memory_space<vmem>>, vector<1x16xf32>,
      %swap3A_119 = arith.index_cast %scan3A_104 : i32 to index
      %swap3A_120 = arith.constant 16 : index
      %swap3A_121 = tpu.vector_load %arg16[%swap3A_119, %swap3A_120] {strides = array<i32>} : memref<80x128xf32, #tpu.memory_space<vmem>>, vector<1x16xf32>,
      %swap3A_122 = vector.shape_cast %swap3A_121 : vector<1x16xf32> to vector<16xf32>
      %swap3A_123 = vector.shape_cast %broadcast_in_dim3A_1 : vector<16xf32> to vector<1x16xf32>
      tpu.vector_store %arg16[%swap3A_119, %swap3A_120], %swap3A_123 {strides = array<i32>} : memref<80x128xf32, #tpu.memory_space<vmem>>, vector<1x16xf32>,
      %swap3A_124 = arith.index_cast %scan3A_104 : i32 to index
      %swap3A_125 = arith.constant 32 : index
      %swap3A_126 = tpu.vector_load %arg15[%swap3A_124, %swap3A_125] {strides = array<i32>} : memref<80x128xf32, #tpu.memory_space<vmem>>, vector<1x16xf32>,
      %swap3A_127 = vector.shape_cast %swap3A_126 : vector<1x16xf32> to vector<16xf32>
      %swap3A_128 = vector.shape_cast %broadcast_in_dim3A_1 : vector<16xf32> to vector<1x16xf32>
      tpu.vector_store %arg15[%swap3A_124, %swap3A_125], %swap3A_128 {strides = array<i32>} : memref<80x128xf32, #tpu.memory_space<vmem>>, vector<1x16xf32>,
      %swap3A_129 = arith.index_cast %scan3A_104 : i32 to index
      %swap3A_130 = arith.constant 32 : index
      %swap3A_131 = tpu.vector_load %arg16[%swap3A_129, %swap3A_130] {strides = array<i32>} : memref<80x128xf32, #tpu.memory_space<vmem>>, vector<1x16xf32>,
      %swap3A_132 = vector.shape_cast %swap3A_131 : vector<1x16xf32> to vector<16xf32>
      %swap3A_133 = vector.shape_cast %broadcast_in_dim3A_1 : vector<16xf32> to vector<1x16xf32>
      tpu.vector_store %arg16[%swap3A_129, %swap3A_130], %swap3A_133 {strides = array<i32>} : memref<80x128xf32, #tpu.memory_space<vmem>>, vector<1x16xf32>,
      %swap3A_134 = arith.index_cast %scan3A_104 : i32 to index
      %swap3A_135 = arith.constant 48 : index
      %swap3A_136 = tpu.vector_load %arg15[%swap3A_134, %swap3A_135] {strides = array<i32>} : memref<80x128xf32, #tpu.memory_space<vmem>>, vector<1x16xf32>,
      %swap3A_137 = vector.shape_cast %swap3A_136 : vector<1x16xf32> to vector<16xf32>
      %swap3A_138 = vector.shape_cast %broadcast_in_dim3A_1 : vector<16xf32> to vector<1x16xf32>
      tpu.vector_store %arg15[%swap3A_134, %swap3A_135], %swap3A_138 {strides = array<i32>} : memref<80x128xf32, #tpu.memory_space<vmem>>, vector<1x16xf32>,
      %swap3A_139 = arith.index_cast %scan3A_104 : i32 to index
      %swap3A_140 = arith.constant 48 : index
      %swap3A_141 = tpu.vector_load %arg16[%swap3A_139, %swap3A_140] {strides = array<i32>} : memref<80x128xf32, #tpu.memory_space<vmem>>, vector<1x16xf32>,
      %swap3A_142 = vector.shape_cast %swap3A_141 : vector<1x16xf32> to vector<16xf32>
      %swap3A_143 = vector.shape_cast %broadcast_in_dim3A_1 : vector<16xf32> to vector<1x16xf32>
      tpu.vector_store %arg16[%swap3A_139, %swap3A_140], %swap3A_143 {strides = array<i32>} : memref<80x128xf32, #tpu.memory_space<vmem>>, vector<1x16xf32>,
      %swap3A_144 = arith.index_cast %scan3A_104 : i32 to index
      %swap3A_145 = arith.constant 64 : index
      %swap3A_146 = tpu.vector_load %arg15[%swap3A_144, %swap3A_145] {strides = array<i32>} : memref<80x128xf32, #tpu.memory_space<vmem>>, vector<1x16xf32>,
      %swap3A_147 = vector.shape_cast %swap3A_146 : vector<1x16xf32> to vector<16xf32>
      %swap3A_148 = vector.shape_cast %broadcast_in_dim3A_1 : vector<16xf32> to vector<1x16xf32>
      tpu.vector_store %arg15[%swap3A_144, %swap3A_145], %swap3A_148 {strides = array<i32>} : memref<80x128xf32, #tpu.memory_space<vmem>>, vector<1x16xf32>,
      %swap3A_149 = arith.index_cast %scan3A_104 : i32 to index
      %swap3A_150 = arith.constant 64 : index
      %swap3A_151 = tpu.vector_load %arg16[%swap3A_149, %swap3A_150] {strides = array<i32>} : memref<80x128xf32, #tpu.memory_space<vmem>>, vector<1x16xf32>,
      %swap3A_152 = vector.shape_cast %swap3A_151 : vector<1x16xf32> to vector<16xf32>
      %swap3A_153 = vector.shape_cast %broadcast_in_dim3A_1 : vector<16xf32> to vector<1x16xf32>
      tpu.vector_store %arg16[%swap3A_149, %swap3A_150], %swap3A_153 {strides = array<i32>} : memref<80x128xf32, #tpu.memory_space<vmem>>, vector<1x16xf32>,
      %swap3A_154 = arith.index_cast %scan3A_104 : i32 to index
      %swap3A_155 = arith.constant 80 : index
      %swap3A_156 = tpu.vector_load %arg15[%swap3A_154, %swap3A_155] {strides = array<i32>} : memref<80x128xf32, #tpu.memory_space<vmem>>, vector<1x16xf32>,
      %swap3A_157 = vector.shape_cast %swap3A_156 : vector<1x16xf32> to vector<16xf32>
      %swap3A_158 = vector.shape_cast %broadcast_in_dim3A_1 : vector<16xf32> to vector<1x16xf32>
      tpu.vector_store %arg15[%swap3A_154, %swap3A_155], %swap3A_158 {strides = array<i32>} : memref<80x128xf32, #tpu.memory_space<vmem>>, vector<1x16xf32>,
      %swap3A_159 = arith.index_cast %scan3A_104 : i32 to index
      %swap3A_160 = arith.constant 80 : index
      %swap3A_161 = tpu.vector_load %arg16[%swap3A_159, %swap3A_160] {strides = array<i32>} : memref<80x128xf32, #tpu.memory_space<vmem>>, vector<1x16xf32>,
      %swap3A_162 = vector.shape_cast %swap3A_161 : vector<1x16xf32> to vector<16xf32>
      %swap3A_163 = vector.shape_cast %broadcast_in_dim3A_1 : vector<16xf32> to vector<1x16xf32>
      tpu.vector_store %arg16[%swap3A_159, %swap3A_160], %swap3A_163 {strides = array<i32>} : memref<80x128xf32, #tpu.memory_space<vmem>>, vector<1x16xf32>,
      %swap3A_164 = arith.index_cast %scan3A_104 : i32 to index
      %swap3A_165 = arith.constant 96 : index
      %swap3A_166 = tpu.vector_load %arg15[%swap3A_164, %swap3A_165] {strides = array<i32>} : memref<80x128xf32, #tpu.memory_space<vmem>>, vector<1x16xf32>,
      %swap3A_167 = vector.shape_cast %swap3A_166 : vector<1x16xf32> to vector<16xf32>
      %swap3A_168 = vector.shape_cast %broadcast_in_dim3A_1 : vector<16xf32> to vector<1x16xf32>
      tpu.vector_store %arg15[%swap3A_164, %swap3A_165], %swap3A_168 {strides = array<i32>} : memref<80x128xf32, #tpu.memory_space<vmem>>, vector<1x16xf32>,
      %swap3A_169 = arith.index_cast %scan3A_104 : i32 to index
      %swap3A_170 = arith.constant 96 : index
      %swap3A_171 = tpu.vector_load %arg16[%swap3A_169, %swap3A_170] {strides = array<i32>} : memref<80x128xf32, #tpu.memory_space<vmem>>, vector<1x16xf32>,
      %swap3A_172 = vector.shape_cast %swap3A_171 : vector<1x16xf32> to vector<16xf32>
      %swap3A_173 = vector.shape_cast %broadcast_in_dim3A_1 : vector<16xf32> to vector<1x16xf32>
      tpu.vector_store %arg16[%swap3A_169, %swap3A_170], %swap3A_173 {strides = array<i32>} : memref<80x128xf32, #tpu.memory_space<vmem>>, vector<1x16xf32>,
      %swap3A_174 = arith.index_cast %scan3A_104 : i32 to index
      %swap3A_175 = arith.constant 112 : index
      %swap3A_176 = tpu.vector_load %arg15[%swap3A_174, %swap3A_175] {strides = array<i32>} : memref<80x128xf32, #tpu.memory_space<vmem>>, vector<1x16xf32>,
      %swap3A_177 = vector.shape_cast %swap3A_176 : vector<1x16xf32> to vector<16xf32>
      %swap3A_178 = vector.shape_cast %broadcast_in_dim3A_1 : vector<16xf32> to vector<1x16xf32>
      tpu.vector_store %arg15[%swap3A_174, %swap3A_175], %swap3A_178 {strides = array<i32>} : memref<80x128xf32, #tpu.memory_space<vmem>>, vector<1x16xf32>,
      %swap3A_179 = arith.index_cast %scan3A_104 : i32 to index
      %swap3A_180 = arith.constant 112 : index
      %swap3A_181 = tpu.vector_load %arg16[%swap3A_179, %swap3A_180] {strides = array<i32>} : memref<80x128xf32, #tpu.memory_space<vmem>>, vector<1x16xf32>,
      %swap3A_182 = vector.shape_cast %swap3A_181 : vector<1x16xf32> to vector<16xf32>
      %swap3A_183 = vector.shape_cast %broadcast_in_dim3A_1 : vector<16xf32> to vector<1x16xf32>
      tpu.vector_store %arg16[%swap3A_179, %swap3A_180], %swap3A_183 {strides = array<i32>} : memref<80x128xf32, #tpu.memory_space<vmem>>, vector<1x16xf32>,
    }
    %scan3A_6 = arith.constant 80 : i32
    %mul3A_7 = arith.constant 680 : i32
    %mul3A_8 = arith.muli %arg1, %mul3A_7 : i32
    %add3A_9 = arith.constant 0 : i32
    %add3A_10 = arith.addi %mul3A_8, %add3A_9 : i32
    "tpu.region"() ({
      %run_scoped3A = tpu.sem_alloc : memref<!tpu.dma_semaphore, #tpu.memory_space<semaphore_mem>>
      %dma_start3A = arith.constant 0 : i32
      %dma_start3A_104 = tpu.memref_slice %arg17[%add3A_10, %dma_start3A] : memref<10880x128xf32, #tpu.memory_space<vmem_shared>> -> memref<80x128xf32, #tpu.memory_space<vmem_shared>>
      %dma_start3A_105 = arith.constant 0 : i32
      %dma_start3A_106 = tpu.memref_slice %arg17[%add3A_10, %dma_start3A_105] : memref<10880x128xf32, #tpu.memory_space<vmem_shared>> -> memref<80x128xf32, #tpu.memory_space<vmem_shared>>
      tpu.enqueue_dma source(%arg15 : memref<80x128xf32, #tpu.memory_space<vmem>>) target(%dma_start3A_106 : memref<80x128xf32, #tpu.memory_space<vmem_shared>>) target_semaphore(%run_scoped3A : memref<!tpu.dma_semaphore, #tpu.memory_space<semaphore_mem>>)
      %dma_wait3A = arith.constant 0 : i32
      %dma_wait3A_107 = tpu.memref_slice %arg17[%add3A_10, %dma_wait3A] : memref<10880x128xf32, #tpu.memory_space<vmem_shared>> -> memref<80x128xf32, #tpu.memory_space<vmem_shared>>
      %dma_wait3A_108 = arith.constant 0 : i32
      %dma_wait3A_109 = tpu.memref_slice %arg17[%add3A_10, %dma_wait3A_108] : memref<10880x128xf32, #tpu.memory_space<vmem_shared>> -> memref<80x128xf32, #tpu.memory_space<vmem_shared>>
      tpu.wait_dma2 semaphore(%run_scoped3A : memref<!tpu.dma_semaphore, #tpu.memory_space<semaphore_mem>>) src(%arg15 : memref<80x128xf32, #tpu.memory_space<vmem>>) dst(%dma_wait3A_109 : memref<80x128xf32, #tpu.memory_space<vmem_shared>>)
      tpu.yield
    }) : () -> ()
    %mul3A_11 = arith.constant 680 : i32
    %mul3A_12 = arith.muli %arg1, %mul3A_11 : i32
    %add3A_13 = arith.constant 80 : i32
    %add3A_14 = arith.addi %mul3A_12, %add3A_13 : i32
    "tpu.region"() ({
      %run_scoped3A = tpu.sem_alloc : memref<!tpu.dma_semaphore, #tpu.memory_space<semaphore_mem>>
      %dma_start3A = arith.constant 0 : i32
      %dma_start3A_104 = tpu.memref_slice %arg17[%add3A_14, %dma_start3A] : memref<10880x128xf32, #tpu.memory_space<vmem_shared>> -> memref<80x128xf32, #tpu.memory_space<vmem_shared>>
      %dma_start3A_105 = arith.constant 0 : i32
      %dma_start3A_106 = tpu.memref_slice %arg17[%add3A_14, %dma_start3A_105] : memref<10880x128xf32, #tpu.memory_space<vmem_shared>> -> memref<80x128xf32, #tpu.memory_space<vmem_shared>>
      tpu.enqueue_dma source(%arg15 : memref<80x128xf32, #tpu.memory_space<vmem>>) target(%dma_start3A_106 : memref<80x128xf32, #tpu.memory_space<vmem_shared>>) target_semaphore(%run_scoped3A : memref<!tpu.dma_semaphore, #tpu.memory_space<semaphore_mem>>)
      %dma_wait3A = arith.constant 0 : i32
      %dma_wait3A_107 = tpu.memref_slice %arg17[%add3A_14, %dma_wait3A] : memref<10880x128xf32, #tpu.memory_space<vmem_shared>> -> memref<80x128xf32, #tpu.memory_space<vmem_shared>>
      %dma_wait3A_108 = arith.constant 0 : i32
      %dma_wait3A_109 = tpu.memref_slice %arg17[%add3A_14, %dma_wait3A_108] : memref<10880x128xf32, #tpu.memory_space<vmem_shared>> -> memref<80x128xf32, #tpu.memory_space<vmem_shared>>
      tpu.wait_dma2 semaphore(%run_scoped3A : memref<!tpu.dma_semaphore, #tpu.memory_space<semaphore_mem>>) src(%arg15 : memref<80x128xf32, #tpu.memory_space<vmem>>) dst(%dma_wait3A_109 : memref<80x128xf32, #tpu.memory_space<vmem_shared>>)
      tpu.yield
    }) : () -> ()
    %mul3A_15 = arith.constant 680 : i32
    %mul3A_16 = arith.muli %arg1, %mul3A_15 : i32
    %add3A_17 = arith.constant 160 : i32
    %add3A_18 = arith.addi %mul3A_16, %add3A_17 : i32
    "tpu.region"() ({
      %run_scoped3A = tpu.sem_alloc : memref<!tpu.dma_semaphore, #tpu.memory_space<semaphore_mem>>
      %dma_start3A = arith.constant 0 : i32
      %dma_start3A_104 = tpu.memref_slice %arg17[%add3A_18, %dma_start3A] : memref<10880x128xf32, #tpu.memory_space<vmem_shared>> -> memref<80x128xf32, #tpu.memory_space<vmem_shared>>
      %dma_start3A_105 = arith.constant 0 : i32
      %dma_start3A_106 = tpu.memref_slice %arg17[%add3A_18, %dma_start3A_105] : memref<10880x128xf32, #tpu.memory_space<vmem_shared>> -> memref<80x128xf32, #tpu.memory_space<vmem_shared>>
      tpu.enqueue_dma source(%arg15 : memref<80x128xf32, #tpu.memory_space<vmem>>) target(%dma_start3A_106 : memref<80x128xf32, #tpu.memory_space<vmem_shared>>) target_semaphore(%run_scoped3A : memref<!tpu.dma_semaphore, #tpu.memory_space<semaphore_mem>>)
      %dma_wait3A = arith.constant 0 : i32
      %dma_wait3A_107 = tpu.memref_slice %arg17[%add3A_18, %dma_wait3A] : memref<10880x128xf32, #tpu.memory_space<vmem_shared>> -> memref<80x128xf32, #tpu.memory_space<vmem_shared>>
      %dma_wait3A_108 = arith.constant 0 : i32
      %dma_wait3A_109 = tpu.memref_slice %arg17[%add3A_18, %dma_wait3A_108] : memref<10880x128xf32, #tpu.memory_space<vmem_shared>> -> memref<80x128xf32, #tpu.memory_space<vmem_shared>>
      tpu.wait_dma2 semaphore(%run_scoped3A : memref<!tpu.dma_semaphore, #tpu.memory_space<semaphore_mem>>) src(%arg15 : memref<80x128xf32, #tpu.memory_space<vmem>>) dst(%dma_wait3A_109 : memref<80x128xf32, #tpu.memory_space<vmem_shared>>)
      tpu.yield
    }) : () -> ()
    %mul3A_19 = arith.constant 680 : i32
    %mul3A_20 = arith.muli %arg1, %mul3A_19 : i32
    %add3A_21 = arith.constant 240 : i32
    %add3A_22 = arith.addi %mul3A_20, %add3A_21 : i32
    "tpu.region"() ({
      %run_scoped3A = tpu.sem_alloc : memref<!tpu.dma_semaphore, #tpu.memory_space<semaphore_mem>>
      %dma_start3A = arith.constant 0 : i32
      %dma_start3A_104 = tpu.memref_slice %arg17[%add3A_22, %dma_start3A] : memref<10880x128xf32, #tpu.memory_space<vmem_shared>> -> memref<80x128xf32, #tpu.memory_space<vmem_shared>>
      %dma_start3A_105 = arith.constant 0 : i32
      %dma_start3A_106 = tpu.memref_slice %arg17[%add3A_22, %dma_start3A_105] : memref<10880x128xf32, #tpu.memory_space<vmem_shared>> -> memref<80x128xf32, #tpu.memory_space<vmem_shared>>
      tpu.enqueue_dma source(%arg15 : memref<80x128xf32, #tpu.memory_space<vmem>>) target(%dma_start3A_106 : memref<80x128xf32, #tpu.memory_space<vmem_shared>>) target_semaphore(%run_scoped3A : memref<!tpu.dma_semaphore, #tpu.memory_space<semaphore_mem>>)
      %dma_wait3A = arith.constant 0 : i32
      %dma_wait3A_107 = tpu.memref_slice %arg17[%add3A_22, %dma_wait3A] : memref<10880x128xf32, #tpu.memory_space<vmem_shared>> -> memref<80x128xf32, #tpu.memory_space<vmem_shared>>
      %dma_wait3A_108 = arith.constant 0 : i32
      %dma_wait3A_109 = tpu.memref_slice %arg17[%add3A_22, %dma_wait3A_108] : memref<10880x128xf32, #tpu.memory_space<vmem_shared>> -> memref<80x128xf32, #tpu.memory_space<vmem_shared>>
      tpu.wait_dma2 semaphore(%run_scoped3A : memref<!tpu.dma_semaphore, #tpu.memory_space<semaphore_mem>>) src(%arg15 : memref<80x128xf32, #tpu.memory_space<vmem>>) dst(%dma_wait3A_109 : memref<80x128xf32, #tpu.memory_space<vmem_shared>>)
      tpu.yield
    }) : () -> ()
    %mul3A_23 = arith.constant 680 : i32
    %mul3A_24 = arith.muli %arg1, %mul3A_23 : i32
    %add3A_25 = arith.constant 320 : i32
    %add3A_26 = arith.addi %mul3A_24, %add3A_25 : i32
    "tpu.region"() ({
      %run_scoped3A = tpu.sem_alloc : memref<!tpu.dma_semaphore, #tpu.memory_space<semaphore_mem>>
      %dma_start3A = arith.constant 0 : i32
      %dma_start3A_104 = tpu.memref_slice %arg17[%add3A_26, %dma_start3A] : memref<10880x128xf32, #tpu.memory_space<vmem_shared>> -> memref<80x128xf32, #tpu.memory_space<vmem_shared>>
      %dma_start3A_105 = arith.constant 0 : i32
      %dma_start3A_106 = tpu.memref_slice %arg17[%add3A_26, %dma_start3A_105] : memref<10880x128xf32, #tpu.memory_space<vmem_shared>> -> memref<80x128xf32, #tpu.memory_space<vmem_shared>>
      tpu.enqueue_dma source(%arg15 : memref<80x128xf32, #tpu.memory_space<vmem>>) target(%dma_start3A_106 : memref<80x128xf32, #tpu.memory_space<vmem_shared>>) target_semaphore(%run_scoped3A : memref<!tpu.dma_semaphore, #tpu.memory_space<semaphore_mem>>)
      %dma_wait3A = arith.constant 0 : i32
      %dma_wait3A_107 = tpu.memref_slice %arg17[%add3A_26, %dma_wait3A] : memref<10880x128xf32, #tpu.memory_space<vmem_shared>> -> memref<80x128xf32, #tpu.memory_space<vmem_shared>>
      %dma_wait3A_108 = arith.constant 0 : i32
      %dma_wait3A_109 = tpu.memref_slice %arg17[%add3A_26, %dma_wait3A_108] : memref<10880x128xf32, #tpu.memory_space<vmem_shared>> -> memref<80x128xf32, #tpu.memory_space<vmem_shared>>
      tpu.wait_dma2 semaphore(%run_scoped3A : memref<!tpu.dma_semaphore, #tpu.memory_space<semaphore_mem>>) src(%arg15 : memref<80x128xf32, #tpu.memory_space<vmem>>) dst(%dma_wait3A_109 : memref<80x128xf32, #tpu.memory_space<vmem_shared>>)
      tpu.yield
    }) : () -> ()
    %mul3A_27 = arith.constant 680 : i32
    %mul3A_28 = arith.muli %arg1, %mul3A_27 : i32
    %add3A_29 = arith.constant 400 : i32
    %add3A_30 = arith.addi %mul3A_28, %add3A_29 : i32
    "tpu.region"() ({
      %run_scoped3A = tpu.sem_alloc : memref<!tpu.dma_semaphore, #tpu.memory_space<semaphore_mem>>
      %dma_start3A = arith.constant 0 : i32
      %dma_start3A_104 = tpu.memref_slice %arg17[%add3A_30, %dma_start3A] : memref<10880x128xf32, #tpu.memory_space<vmem_shared>> -> memref<80x128xf32, #tpu.memory_space<vmem_shared>>
      %dma_start3A_105 = arith.constant 0 : i32
      %dma_start3A_106 = tpu.memref_slice %arg17[%add3A_30, %dma_start3A_105] : memref<10880x128xf32, #tpu.memory_space<vmem_shared>> -> memref<80x128xf32, #tpu.memory_space<vmem_shared>>
      tpu.enqueue_dma source(%arg15 : memref<80x128xf32, #tpu.memory_space<vmem>>) target(%dma_start3A_106 : memref<80x128xf32, #tpu.memory_space<vmem_shared>>) target_semaphore(%run_scoped3A : memref<!tpu.dma_semaphore, #tpu.memory_space<semaphore_mem>>)
      %dma_wait3A = arith.constant 0 : i32
      %dma_wait3A_107 = tpu.memref_slice %arg17[%add3A_30, %dma_wait3A] : memref<10880x128xf32, #tpu.memory_space<vmem_shared>> -> memref<80x128xf32, #tpu.memory_space<vmem_shared>>
      %dma_wait3A_108 = arith.constant 0 : i32
      %dma_wait3A_109 = tpu.memref_slice %arg17[%add3A_30, %dma_wait3A_108] : memref<10880x128xf32, #tpu.memory_space<vmem_shared>> -> memref<80x128xf32, #tpu.memory_space<vmem_shared>>
      tpu.wait_dma2 semaphore(%run_scoped3A : memref<!tpu.dma_semaphore, #tpu.memory_space<semaphore_mem>>) src(%arg15 : memref<80x128xf32, #tpu.memory_space<vmem>>) dst(%dma_wait3A_109 : memref<80x128xf32, #tpu.memory_space<vmem_shared>>)
      tpu.yield
    }) : () -> ()
    %mul3A_31 = arith.constant 680 : i32
    %mul3A_32 = arith.muli %arg1, %mul3A_31 : i32
    %add3A_33 = arith.constant 480 : i32
    %add3A_34 = arith.addi %mul3A_32, %add3A_33 : i32
    "tpu.region"() ({
      %run_scoped3A = tpu.sem_alloc : memref<!tpu.dma_semaphore, #tpu.memory_space<semaphore_mem>>
      %dma_start3A = arith.constant 0 : i32
      %dma_start3A_104 = tpu.memref_slice %arg17[%add3A_34, %dma_start3A] : memref<10880x128xf32, #tpu.memory_space<vmem_shared>> -> memref<80x128xf32, #tpu.memory_space<vmem_shared>>
      %dma_start3A_105 = arith.constant 0 : i32
      %dma_start3A_106 = tpu.memref_slice %arg17[%add3A_34, %dma_start3A_105] : memref<10880x128xf32, #tpu.memory_space<vmem_shared>> -> memref<80x128xf32, #tpu.memory_space<vmem_shared>>
      tpu.enqueue_dma source(%arg15 : memref<80x128xf32, #tpu.memory_space<vmem>>) target(%dma_start3A_106 : memref<80x128xf32, #tpu.memory_space<vmem_shared>>) target_semaphore(%run_scoped3A : memref<!tpu.dma_semaphore, #tpu.memory_space<semaphore_mem>>)
      %dma_wait3A = arith.constant 0 : i32
      %dma_wait3A_107 = tpu.memref_slice %arg17[%add3A_34, %dma_wait3A] : memref<10880x128xf32, #tpu.memory_space<vmem_shared>> -> memref<80x128xf32, #tpu.memory_space<vmem_shared>>
      %dma_wait3A_108 = arith.constant 0 : i32
      %dma_wait3A_109 = tpu.memref_slice %arg17[%add3A_34, %dma_wait3A_108] : memref<10880x128xf32, #tpu.memory_space<vmem_shared>> -> memref<80x128xf32, #tpu.memory_space<vmem_shared>>
      tpu.wait_dma2 semaphore(%run_scoped3A : memref<!tpu.dma_semaphore, #tpu.memory_space<semaphore_mem>>) src(%arg15 : memref<80x128xf32, #tpu.memory_space<vmem>>) dst(%dma_wait3A_109 : memref<80x128xf32, #tpu.memory_space<vmem_shared>>)
      tpu.yield
    }) : () -> ()
    %mul3A_35 = arith.constant 680 : i32
    %mul3A_36 = arith.muli %arg1, %mul3A_35 : i32
    %add3A_37 = arith.constant 560 : i32
    %add3A_38 = arith.addi %mul3A_36, %add3A_37 : i32
    "tpu.region"() ({
      %run_scoped3A = tpu.sem_alloc : memref<!tpu.dma_semaphore, #tpu.memory_space<semaphore_mem>>
      %dma_start3A = arith.constant 0 : i32
      %dma_start3A_104 = tpu.memref_slice %arg17[%add3A_38, %dma_start3A] : memref<10880x128xf32, #tpu.memory_space<vmem_shared>> -> memref<80x128xf32, #tpu.memory_space<vmem_shared>>
      %dma_start3A_105 = arith.constant 0 : i32
      %dma_start3A_106 = tpu.memref_slice %arg17[%add3A_38, %dma_start3A_105] : memref<10880x128xf32, #tpu.memory_space<vmem_shared>> -> memref<80x128xf32, #tpu.memory_space<vmem_shared>>
      tpu.enqueue_dma source(%arg15 : memref<80x128xf32, #tpu.memory_space<vmem>>) target(%dma_start3A_106 : memref<80x128xf32, #tpu.memory_space<vmem_shared>>) target_semaphore(%run_scoped3A : memref<!tpu.dma_semaphore, #tpu.memory_space<semaphore_mem>>)
      %dma_wait3A = arith.constant 0 : i32
      %dma_wait3A_107 = tpu.memref_slice %arg17[%add3A_38, %dma_wait3A] : memref<10880x128xf32, #tpu.memory_space<vmem_shared>> -> memref<80x128xf32, #tpu.memory_space<vmem_shared>>
      %dma_wait3A_108 = arith.constant 0 : i32
      %dma_wait3A_109 = tpu.memref_slice %arg17[%add3A_38, %dma_wait3A_108] : memref<10880x128xf32, #tpu.memory_space<vmem_shared>> -> memref<80x128xf32, #tpu.memory_space<vmem_shared>>
      tpu.wait_dma2 semaphore(%run_scoped3A : memref<!tpu.dma_semaphore, #tpu.memory_space<semaphore_mem>>) src(%arg15 : memref<80x128xf32, #tpu.memory_space<vmem>>) dst(%dma_wait3A_109 : memref<80x128xf32, #tpu.memory_space<vmem_shared>>)
      tpu.yield
    }) : () -> ()
    %mul3A_39 = arith.constant 680 : i32
    %mul3A_40 = arith.muli %arg1, %mul3A_39 : i32
    %add3A_41 = arith.constant 640 : i32
    %add3A_42 = arith.addi %mul3A_40, %add3A_41 : i32
    "tpu.region"() ({
      %run_scoped3A = tpu.sem_alloc : memref<!tpu.dma_semaphore, #tpu.memory_space<semaphore_mem>>
      %dma_start3A = arith.constant 0 : i32
      %dma_start3A_104 = arith.constant 0 : i32
      %dma_start3A_105 = tpu.memref_slice %arg15[%dma_start3A, %dma_start3A_104] : memref<80x128xf32, #tpu.memory_space<vmem>> -> memref<40x128xf32, #tpu.memory_space<vmem>>
      %dma_start3A_106 = arith.constant 0 : i32
      %dma_start3A_107 = tpu.memref_slice %arg17[%add3A_42, %dma_start3A_106] : memref<10880x128xf32, #tpu.memory_space<vmem_shared>> -> memref<40x128xf32, #tpu.memory_space<vmem_shared>>
      %dma_start3A_108 = arith.constant 0 : i32
      %dma_start3A_109 = tpu.memref_slice %arg17[%add3A_42, %dma_start3A_108] : memref<10880x128xf32, #tpu.memory_space<vmem_shared>> -> memref<40x128xf32, #tpu.memory_space<vmem_shared>>
      %dma_start3A_110 = arith.constant 0 : i32
      %dma_start3A_111 = arith.constant 0 : i32
      %dma_start3A_112 = tpu.memref_slice %arg15[%dma_start3A_110, %dma_start3A_111] : memref<80x128xf32, #tpu.memory_space<vmem>> -> memref<40x128xf32, #tpu.memory_space<vmem>>
      tpu.enqueue_dma source(%dma_start3A_112 : memref<40x128xf32, #tpu.memory_space<vmem>>) target(%dma_start3A_109 : memref<40x128xf32, #tpu.memory_space<vmem_shared>>) target_semaphore(%run_scoped3A : memref<!tpu.dma_semaphore, #tpu.memory_space<semaphore_mem>>)
      %dma_wait3A = arith.constant 0 : i32
      %dma_wait3A_113 = arith.constant 0 : i32
      %dma_wait3A_114 = tpu.memref_slice %arg15[%dma_wait3A, %dma_wait3A_113] : memref<80x128xf32, #tpu.memory_space<vmem>> -> memref<40x128xf32, #tpu.memory_space<vmem>>
      %dma_wait3A_115 = arith.constant 0 : i32
      %dma_wait3A_116 = tpu.memref_slice %arg17[%add3A_42, %dma_wait3A_115] : memref<10880x128xf32, #tpu.memory_space<vmem_shared>> -> memref<40x128xf32, #tpu.memory_space<vmem_shared>>
      %dma_wait3A_117 = arith.constant 0 : i32
      %dma_wait3A_118 = tpu.memref_slice %arg17[%add3A_42, %dma_wait3A_117] : memref<10880x128xf32, #tpu.memory_space<vmem_shared>> -> memref<40x128xf32, #tpu.memory_space<vmem_shared>>
      %dma_wait3A_119 = arith.constant 0 : i32
      %dma_wait3A_120 = arith.constant 0 : i32
      %dma_wait3A_121 = tpu.memref_slice %arg15[%dma_wait3A_119, %dma_wait3A_120] : memref<80x128xf32, #tpu.memory_space<vmem>> -> memref<40x128xf32, #tpu.memory_space<vmem>>
      tpu.wait_dma2 semaphore(%run_scoped3A : memref<!tpu.dma_semaphore, #tpu.memory_space<semaphore_mem>>) src(%dma_wait3A_121 : memref<40x128xf32, #tpu.memory_space<vmem>>) dst(%dma_wait3A_118 : memref<40x128xf32, #tpu.memory_space<vmem_shared>>)
      tpu.yield
    }) : () -> ()
    %barrier3A = arith.constant 0 : index
    tpu.barrier barrier_id(%barrier3A)
    "tpu.region"() ({
      %run_scoped3A = tpu.sem_alloc : memref<!tpu.dma_semaphore, #tpu.memory_space<semaphore_mem>>
      tpu.enqueue_dma source(%arg6 : memref<8x16xf32, #tpu.memory_space<hbm>>) target(%arg8 : memref<8x16xf32, #tpu.memory_space<vmem>>) target_semaphore(%run_scoped3A : memref<!tpu.dma_semaphore, #tpu.memory_space<semaphore_mem>>)
      tpu.wait_dma2 semaphore(%run_scoped3A : memref<!tpu.dma_semaphore, #tpu.memory_space<semaphore_mem>>) src(%arg6 : memref<8x16xf32, #tpu.memory_space<hbm>>) dst(%arg8 : memref<8x16xf32, #tpu.memory_space<vmem>>)
      tpu.yield
    }) : () -> ()
    %get3A = arith.constant 0 : i32
    %get3A_43 = arith.index_cast %get3A : i32 to index
    %get3A_44 = arith.constant 0 : index
    %get3A_45 = tpu.vector_load %arg8[%get3A_43, %get3A_44] {strides = array<i32>} : memref<8x16xf32, #tpu.memory_space<vmem>>, vector<1x16xf32>,
    %get3A_46 = vector.shape_cast %get3A_45 : vector<1x16xf32> to vector<16xf32>
    %get3A_47 = arith.constant 1 : i32
    %get3A_48 = arith.index_cast %get3A_47 : i32 to index
    %get3A_49 = arith.constant 0 : index
    %get3A_50 = tpu.vector_load %arg8[%get3A_48, %get3A_49] {strides = array<i32>} : memref<8x16xf32, #tpu.memory_space<vmem>>, vector<1x16xf32>,
    %get3A_51 = vector.shape_cast %get3A_50 : vector<1x16xf32> to vector<16xf32>
    %get3A_52 = arith.constant 2 : i32
    %get3A_53 = arith.index_cast %get3A_52 : i32 to index
    %get3A_54 = arith.constant 0 : index
    %get3A_55 = tpu.vector_load %arg8[%get3A_53, %get3A_54] {strides = array<i32>} : memref<8x16xf32, #tpu.memory_space<vmem>>, vector<1x16xf32>,
    %get3A_56 = vector.shape_cast %get3A_55 : vector<1x16xf32> to vector<16xf32>
    %get3A_57 = arith.constant 3 : i32
    %get3A_58 = arith.index_cast %get3A_57 : i32 to index
    %get3A_59 = arith.constant 0 : index
    %get3A_60 = tpu.vector_load %arg8[%get3A_58, %get3A_59] {strides = array<i32>} : memref<8x16xf32, #tpu.memory_space<vmem>>, vector<1x16xf32>,
    %get3A_61 = vector.shape_cast %get3A_60 : vector<1x16xf32> to vector<16xf32>
    %get3A_62 = arith.constant 4 : i32
    %get3A_63 = arith.index_cast %get3A_62 : i32 to index
    %get3A_64 = arith.constant 0 : index
    %get3A_65 = tpu.vector_load %arg8[%get3A_63, %get3A_64] {strides = array<i32>} : memref<8x16xf32, #tpu.memory_space<vmem>>, vector<1x16xf32>,
    %get3A_66 = vector.shape_cast %get3A_65 : vector<1x16xf32> to vector<16xf32>
    %get3A_67 = arith.constant 5 : i32
    %get3A_68 = arith.index_cast %get3A_67 : i32 to index
    %get3A_69 = arith.constant 0 : index
    %get3A_70 = tpu.vector_load %arg8[%get3A_68, %get3A_69] {strides = array<i32>} : memref<8x16xf32, #tpu.memory_space<vmem>>, vector<1x16xf32>,
    %get3A_71 = vector.shape_cast %get3A_70 : vector<1x16xf32> to vector<16xf32>
    %get3A_72 = arith.constant 6 : i32
    %get3A_73 = arith.index_cast %get3A_72 : i32 to index
    %get3A_74 = arith.constant 0 : index
    %get3A_75 = tpu.vector_load %arg8[%get3A_73, %get3A_74] {strides = array<i32>} : memref<8x16xf32, #tpu.memory_space<vmem>>, vector<1x16xf32>,
    %get3A_76 = vector.shape_cast %get3A_75 : vector<1x16xf32> to vector<16xf32>
    %get3A_77 = arith.constant 7 : i32
    %get3A_78 = arith.index_cast %get3A_77 : i32 to index
    %get3A_79 = arith.constant 0 : index
    %get3A_80 = tpu.vector_load %arg8[%get3A_78, %get3A_79] {strides = array<i32>} : memref<8x16xf32, #tpu.memory_space<vmem>>, vector<1x16xf32>,
    %get3A_81 = vector.shape_cast %get3A_80 : vector<1x16xf32> to vector<16xf32>
    %iota3A = tpu.iota {dimensions = array<i32: 0>} : vector<16xi32>
    %xor3A = arith.constant 1 : i32
    %xor3A_82 = vector.broadcast %xor3A : i32 to vector<16xi32>
    %xor3A_83 = arith.xori %iota3A, %xor3A_82 : vector<16xi32>
    %xor3A_84 = arith.constant 2 : i32
    %xor3A_85 = vector.broadcast %xor3A_84 : i32 to vector<16xi32>
    %xor3A_86 = arith.xori %iota3A, %xor3A_85 : vector<16xi32>
    %xor3A_87 = arith.constant 4 : i32
    %xor3A_88 = vector.broadcast %xor3A_87 : i32 to vector<16xi32>
    %xor3A_89 = arith.xori %iota3A, %xor3A_88 : vector<16xi32>
    %xor3A_90 = arith.constant 8 : i32
    %xor3A_91 = vector.broadcast %xor3A_90 : i32 to vector<16xi32>
    %xor3A_92 = arith.xori %iota3A, %xor3A_91 : vector<16xi32>
    %scan3A_93 = arith.constant 0 : i32
    %scan3A_94 = arith.constant 0 : i32
    %scan3A_95 = arith.constant 125 : i32
    %scan3A_96 = arith.addi %scan3A_94, %scan3A_95 : i32
    %scan3A_97 = arith.constant 1 : i32
    scf.for %scan3A_104 = %scan3A_94 to %scan3A_96 step %scan3A_97  : i32 {
      %mul3A_105 = arith.constant 10000 : i32
      %mul3A_106 = arith.muli %add3A, %mul3A_105 : i32
      %mul3A_107 = arith.constant 80 : i32
      %mul3A_108 = arith.muli %scan3A_104, %mul3A_107 : i32
      %add3A_109 = arith.addi %mul3A_106, %mul3A_108 : i32
      "tpu.region"() ({
        %run_scoped3A = tpu.sem_alloc : memref<!tpu.dma_semaphore, #tpu.memory_space<semaphore_mem>>
        %dma_start3A_195 = tpu.memref_slice %arg4[%add3A_109] : memref<320000xi32, #tpu.memory_space<hbm>> -> memref<80xi32, #tpu.memory_space<hbm>>
        %dma_start3A_196 = tpu.memref_slice %arg4[%add3A_109] : memref<320000xi32, #tpu.memory_space<hbm>> -> memref<80xi32, #tpu.memory_space<hbm>>
        tpu.enqueue_dma source(%dma_start3A_196 : memref<80xi32, #tpu.memory_space<hbm>>) target(%arg9 : memref<80xi32, #tpu.memory_space<vmem>>) target_semaphore(%run_scoped3A : memref<!tpu.dma_semaphore, #tpu.memory_space<semaphore_mem>>)
        %dma_wait3A_197 = tpu.memref_slice %arg4[%add3A_109] : memref<320000xi32, #tpu.memory_space<hbm>> -> memref<80xi32, #tpu.memory_space<hbm>>
        %dma_wait3A_198 = tpu.memref_slice %arg4[%add3A_109] : memref<320000xi32, #tpu.memory_space<hbm>> -> memref<80xi32, #tpu.memory_space<hbm>>
        tpu.wait_dma2 semaphore(%run_scoped3A : memref<!tpu.dma_semaphore, #tpu.memory_space<semaphore_mem>>) src(%dma_wait3A_198 : memref<80xi32, #tpu.memory_space<hbm>>) dst(%arg9 : memref<80xi32, #tpu.memory_space<vmem>>)
        tpu.yield
      }) : () -> ()
      "tpu.region"() ({
        %run_scoped3A = tpu.sem_alloc : memref<!tpu.dma_semaphore, #tpu.memory_space<semaphore_mem>>
        %dma_start3A_195 = tpu.memref_slice %arg5[%add3A_109] : memref<320000xi32, #tpu.memory_space<hbm>> -> memref<80xi32, #tpu.memory_space<hbm>>
        %dma_start3A_196 = tpu.memref_slice %arg5[%add3A_109] : memref<320000xi32, #tpu.memory_space<hbm>> -> memref<80xi32, #tpu.memory_space<hbm>>
        tpu.enqueue_dma source(%dma_start3A_196 : memref<80xi32, #tpu.memory_space<hbm>>) target(%arg10 : memref<80xi32, #tpu.memory_space<vmem>>) target_semaphore(%run_scoped3A : memref<!tpu.dma_semaphore, #tpu.memory_space<semaphore_mem>>)
        %dma_wait3A_197 = tpu.memref_slice %arg5[%add3A_109] : memref<320000xi32, #tpu.memory_space<hbm>> -> memref<80xi32, #tpu.memory_space<hbm>>
        %dma_wait3A_198 = tpu.memref_slice %arg5[%add3A_109] : memref<320000xi32, #tpu.memory_space<hbm>> -> memref<80xi32, #tpu.memory_space<hbm>>
        tpu.wait_dma2 semaphore(%run_scoped3A : memref<!tpu.dma_semaphore, #tpu.memory_space<semaphore_mem>>) src(%dma_wait3A_198 : memref<80xi32, #tpu.memory_space<hbm>>) dst(%arg10 : memref<80xi32, #tpu.memory_space<vmem>>)
        tpu.yield
      }) : () -> ()
      "tpu.region"() ({
        %run_scoped3A = tpu.sem_alloc : memref<!tpu.dma_semaphore, #tpu.memory_space<semaphore_mem>>
        %dma_start3A_195 = arith.constant 0 : i32
        %dma_start3A_196 = tpu.memref_slice %arg11[%dma_start3A_195] : memref<96xi32, #tpu.memory_space<vmem>> -> memref<80xi32, #tpu.memory_space<vmem>>
        %dma_start3A_197 = tpu.memref_slice %arg5[%add3A_109] : memref<320000xi32, #tpu.memory_space<hbm>> -> memref<80xi32, #tpu.memory_space<hbm>>
        %dma_start3A_198 = arith.constant 0 : i32
        %dma_start3A_199 = tpu.memref_slice %arg11[%dma_start3A_198] : memref<96xi32, #tpu.memory_space<vmem>> -> memref<80xi32, #tpu.memory_space<vmem>>
        %dma_start3A_200 = tpu.memref_slice %arg5[%add3A_109] : memref<320000xi32, #tpu.memory_space<hbm>> -> memref<80xi32, #tpu.memory_space<hbm>>
        tpu.enqueue_dma source(%dma_start3A_200 : memref<80xi32, #tpu.memory_space<hbm>>) target(%dma_start3A_199 : memref<80xi32, #tpu.memory_space<vmem>>) target_semaphore(%run_scoped3A : memref<!tpu.dma_semaphore, #tpu.memory_space<semaphore_mem>>)
        %dma_wait3A_201 = arith.constant 0 : i32
        %dma_wait3A_202 = tpu.memref_slice %arg11[%dma_wait3A_201] : memref<96xi32, #tpu.memory_space<vmem>> -> memref<80xi32, #tpu.memory_space<vmem>>
        %dma_wait3A_203 = tpu.memref_slice %arg5[%add3A_109] : memref<320000xi32, #tpu.memory_space<hbm>> -> memref<80xi32, #tpu.memory_space<hbm>>
        %dma_wait3A_204 = arith.constant 0 : i32
        %dma_wait3A_205 = tpu.memref_slice %arg11[%dma_wait3A_204] : memref<96xi32, #tpu.memory_space<vmem>> -> memref<80xi32, #tpu.memory_space<vmem>>
        %dma_wait3A_206 = tpu.memref_slice %arg5[%add3A_109] : memref<320000xi32, #tpu.memory_space<hbm>> -> memref<80xi32, #tpu.memory_space<hbm>>
        tpu.wait_dma2 semaphore(%run_scoped3A : memref<!tpu.dma_semaphore, #tpu.memory_space<semaphore_mem>>) src(%dma_wait3A_206 : memref<80xi32, #tpu.memory_space<hbm>>) dst(%dma_wait3A_205 : memref<80xi32, #tpu.memory_space<vmem>>)
        tpu.yield
      }) : () -> ()
      %dma_start3A = arith.constant 0 : i32
      %dma_start3A_110 = arith.constant 0 : i32
      %dma_start3A_111 = tpu.memref_slice %arg2[%dma_start3A, %dma_start3A_110] : memref<10000x128xf32, #tpu.memory_space<hbm>> -> memref<10000x128xf32, #tpu.memory_space<hbm>>
      tpu.enqueue_indirect_dma source(%dma_start3A_111 : memref<10000x128xf32, #tpu.memory_space<hbm>>) target(%arg13 : memref<80x128xf32, #tpu.memory_space<vmem>>) offsets(%arg9 : memref<80xi32, #tpu.memory_space<vmem>>) semaphore(%arg18 : memref<!tpu.dma_semaphore, #tpu.memory_space<semaphore_mem>>)
      %dma_start3A_112 = arith.constant 0 : i32
      %dma_start3A_113 = arith.constant 0 : i32
      %dma_start3A_114 = tpu.memref_slice %arg3[%dma_start3A_112, %dma_start3A_113] : memref<10000x128xf32, #tpu.memory_space<hbm>> -> memref<10000x128xf32, #tpu.memory_space<hbm>>
      tpu.enqueue_indirect_dma source(%dma_start3A_114 : memref<10000x128xf32, #tpu.memory_space<hbm>>) target(%arg14 : memref<80x128xf32, #tpu.memory_space<vmem>>) offsets(%arg10 : memref<80xi32, #tpu.memory_space<vmem>>) semaphore(%arg19 : memref<!tpu.dma_semaphore, #tpu.memory_space<semaphore_mem>>)
      %get3A_115 = arith.constant 0 : index
      %get3A_116 = tpu.vector_load %arg11[%get3A_115] {strides = array<i32>} : memref<96xi32, #tpu.memory_space<vmem>>, vector<16xi32>,
      %get3A_117 = vector.shape_cast %get3A_116 : vector<16xi32> to vector<16xi32>
      %shift_right_arithmetic3A = arith.constant 4 : i32
      %shift_right_arithmetic3A_118 = vector.broadcast %shift_right_arithmetic3A : i32 to vector<16xi32>
      %shift_right_arithmetic3A_119 = arith.shrsi %get3A_117, %shift_right_arithmetic3A_118 : vector<16xi32>
      %add3A_120 = arith.constant 10240 : i32
      %add3A_121 = vector.broadcast %add3A_120 : i32 to vector<16xi32>
      %add3A_122 = arith.addi %add3A_121, %shift_right_arithmetic3A_119 : vector<16xi32>
      %swap3A = arith.constant 0 : index
      %swap3A_123 = tpu.vector_load %arg12[%swap3A] {strides = array<i32>} : memref<80xi32, #tpu.memory_space<vmem>>, vector<16xi32>,
      %swap3A_124 = vector.shape_cast %swap3A_123 : vector<16xi32> to vector<16xi32>
      %swap3A_125 = vector.shape_cast %add3A_122 : vector<16xi32> to vector<16xi32>
      tpu.vector_store %arg12[%swap3A], %swap3A_125 {strides = array<i32>} : memref<80xi32, #tpu.memory_space<vmem>>, vector<16xi32>,
      %get3A_126 = arith.constant 16 : index
      %get3A_127 = tpu.vector_load %arg11[%get3A_126] {strides = array<i32>} : memref<96xi32, #tpu.memory_space<vmem>>, vector<16xi32>,
      %get3A_128 = vector.shape_cast %get3A_127 : vector<16xi32> to vector<16xi32>
      %shift_right_arithmetic3A_129 = arith.constant 4 : i32
      %shift_right_arithmetic3A_130 = vector.broadcast %shift_right_arithmetic3A_129 : i32 to vector<16xi32>
      %shift_right_arithmetic3A_131 = arith.shrsi %get3A_128, %shift_right_arithmetic3A_130 : vector<16xi32>
      %add3A_132 = arith.constant 10240 : i32
      %add3A_133 = vector.broadcast %add3A_132 : i32 to vector<16xi32>
      %add3A_134 = arith.addi %add3A_133, %shift_right_arithmetic3A_131 : vector<16xi32>
      %swap3A_135 = arith.constant 16 : index
      %swap3A_136 = tpu.vector_load %arg12[%swap3A_135] {strides = array<i32>} : memref<80xi32, #tpu.memory_space<vmem>>, vector<16xi32>,
      %swap3A_137 = vector.shape_cast %swap3A_136 : vector<16xi32> to vector<16xi32>
      %swap3A_138 = vector.shape_cast %add3A_134 : vector<16xi32> to vector<16xi32>
      tpu.vector_store %arg12[%swap3A_135], %swap3A_138 {strides = array<i32>} : memref<80xi32, #tpu.memory_space<vmem>>, vector<16xi32>,
      %get3A_139 = arith.constant 32 : index
      %get3A_140 = tpu.vector_load %arg11[%get3A_139] {strides = array<i32>} : memref<96xi32, #tpu.memory_space<vmem>>, vector<16xi32>,
      %get3A_141 = vector.shape_cast %get3A_140 : vector<16xi32> to vector<16xi32>
      %shift_right_arithmetic3A_142 = arith.constant 4 : i32
      %shift_right_arithmetic3A_143 = vector.broadcast %shift_right_arithmetic3A_142 : i32 to vector<16xi32>
      %shift_right_arithmetic3A_144 = arith.shrsi %get3A_141, %shift_right_arithmetic3A_143 : vector<16xi32>
      %add3A_145 = arith.constant 10240 : i32
      %add3A_146 = vector.broadcast %add3A_145 : i32 to vector<16xi32>
      %add3A_147 = arith.addi %add3A_146, %shift_right_arithmetic3A_144 : vector<16xi32>
      %swap3A_148 = arith.constant 32 : index
      %swap3A_149 = tpu.vector_load %arg12[%swap3A_148] {strides = array<i32>} : memref<80xi32, #tpu.memory_space<vmem>>, vector<16xi32>,
      %swap3A_150 = vector.shape_cast %swap3A_149 : vector<16xi32> to vector<16xi32>
      %swap3A_151 = vector.shape_cast %add3A_147 : vector<16xi32> to vector<16xi32>
      tpu.vector_store %arg12[%swap3A_148], %swap3A_151 {strides = array<i32>} : memref<80xi32, #tpu.memory_space<vmem>>, vector<16xi32>,
      %get3A_152 = arith.constant 48 : index
      %get3A_153 = tpu.vector_load %arg11[%get3A_152] {strides = array<i32>} : memref<96xi32, #tpu.memory_space<vmem>>, vector<16xi32>,
      %get3A_154 = vector.shape_cast %get3A_153 : vector<16xi32> to vector<16xi32>
      %shift_right_arithmetic3A_155 = arith.constant 4 : i32
      %shift_right_arithmetic3A_156 = vector.broadcast %shift_right_arithmetic3A_155 : i32 to vector<16xi32>
      %shift_right_arithmetic3A_157 = arith.shrsi %get3A_154, %shift_right_arithmetic3A_156 : vector<16xi32>
      %add3A_158 = arith.constant 10240 : i32
      %add3A_159 = vector.broadcast %add3A_158 : i32 to vector<16xi32>
      %add3A_160 = arith.addi %add3A_159, %shift_right_arithmetic3A_157 : vector<16xi32>
      %swap3A_161 = arith.constant 48 : index
      %swap3A_162 = tpu.vector_load %arg12[%swap3A_161] {strides = array<i32>} : memref<80xi32, #tpu.memory_space<vmem>>, vector<16xi32>,
      %swap3A_163 = vector.shape_cast %swap3A_162 : vector<16xi32> to vector<16xi32>
      %swap3A_164 = vector.shape_cast %add3A_160 : vector<16xi32> to vector<16xi32>
      tpu.vector_store %arg12[%swap3A_161], %swap3A_164 {strides = array<i32>} : memref<80xi32, #tpu.memory_space<vmem>>, vector<16xi32>,
      %get3A_165 = arith.constant 64 : index
      %get3A_166 = tpu.vector_load %arg11[%get3A_165] {strides = array<i32>} : memref<96xi32, #tpu.memory_space<vmem>>, vector<16xi32>,
      %get3A_167 = vector.shape_cast %get3A_166 : vector<16xi32> to vector<16xi32>
      %shift_right_arithmetic3A_168 = arith.constant 4 : i32
      %shift_right_arithmetic3A_169 = vector.broadcast %shift_right_arithmetic3A_168 : i32 to vector<16xi32>
      %shift_right_arithmetic3A_170 = arith.shrsi %get3A_167, %shift_right_arithmetic3A_169 : vector<16xi32>
      %add3A_171 = arith.constant 10240 : i32
      %add3A_172 = vector.broadcast %add3A_171 : i32 to vector<16xi32>
      %add3A_173 = arith.addi %add3A_172, %shift_right_arithmetic3A_170 : vector<16xi32>
      %swap3A_174 = arith.constant 64 : index
      %swap3A_175 = tpu.vector_load %arg12[%swap3A_174] {strides = array<i32>} : memref<80xi32, #tpu.memory_space<vmem>>, vector<16xi32>,
      %swap3A_176 = vector.shape_cast %swap3A_175 : vector<16xi32> to vector<16xi32>
      %swap3A_177 = vector.shape_cast %add3A_173 : vector<16xi32> to vector<16xi32>
      tpu.vector_store %arg12[%swap3A_174], %swap3A_177 {strides = array<i32>} : memref<80xi32, #tpu.memory_space<vmem>>, vector<16xi32>,
      %dma_wait3A = arith.constant 0 : i32
      %dma_wait3A_178 = arith.constant 0 : i32
      %dma_wait3A_179 = tpu.memref_slice %arg2[%dma_wait3A, %dma_wait3A_178] : memref<10000x128xf32, #tpu.memory_space<hbm>> -> memref<10000x128xf32, #tpu.memory_space<hbm>>
      tpu.wait_indirect_dma semaphore(%arg18 : memref<!tpu.dma_semaphore, #tpu.memory_space<semaphore_mem>>) src(%dma_wait3A_179 : memref<10000x128xf32, #tpu.memory_space<hbm>>) dst(%arg13 : memref<80x128xf32, #tpu.memory_space<vmem>>)
      %dma_wait3A_180 = arith.constant 0 : i32
      %dma_wait3A_181 = arith.constant 0 : i32
      %dma_wait3A_182 = tpu.memref_slice %arg3[%dma_wait3A_180, %dma_wait3A_181] : memref<10000x128xf32, #tpu.memory_space<hbm>> -> memref<10000x128xf32, #tpu.memory_space<hbm>>
      tpu.wait_indirect_dma semaphore(%arg19 : memref<!tpu.dma_semaphore, #tpu.memory_space<semaphore_mem>>) src(%dma_wait3A_182 : memref<10000x128xf32, #tpu.memory_space<hbm>>) dst(%arg14 : memref<80x128xf32, #tpu.memory_space<vmem>>)
      %scan3A_183 = arith.constant 0 : i32
      %scan3A_184 = arith.constant 0 : i32
      %scan3A_185 = arith.constant 80 : i32
      %scan3A_186 = arith.addi %scan3A_184, %scan3A_185 : i32
      %scan3A_187 = arith.constant 1 : i32
      scf.for %scan3A_195 = %scan3A_184 to %scan3A_186 step %scan3A_187  : i32 {
        %get3A_196 = arith.index_cast %scan3A_195 : i32 to index
        %get3A_197 = arith.constant 0 : index
        %get3A_198 = tpu.vector_load %arg13[%get3A_196, %get3A_197] {strides = array<i32>} : memref<80x128xf32, #tpu.memory_space<vmem>>, vector<1x16xf32>,
        %get3A_199 = vector.shape_cast %get3A_198 : vector<1x16xf32> to vector<16xf32>
        %get3A_200 = arith.index_cast %scan3A_195 : i32 to index
        %get3A_201 = arith.constant 0 : index
        %get3A_202 = tpu.vector_load %arg14[%get3A_200, %get3A_201] {strides = array<i32>} : memref<80x128xf32, #tpu.memory_space<vmem>>, vector<1x16xf32>,
        %get3A_203 = vector.shape_cast %get3A_202 : vector<1x16xf32> to vector<16xf32>
        %add3A_204 = arith.addf %get3A_199, %get3A_203 : vector<16xf32>
        %mul3A_205 = arith.constant 2.000000e-01 : f32
        %mul3A_206 = vector.broadcast %mul3A_205 : f32 to vector<16xf32>
        %mul3A_207 = arith.mulf %add3A_204, %mul3A_206 : vector<16xf32>
        %max3A = arith.maximumf %add3A_204, %mul3A_207 : vector<16xf32>
        %mul3A_208 = arith.mulf %max3A, %get3A_46 : vector<16xf32>
        %lt3A = arith.constant 0 : i32
        %lt3A_209 = vector.broadcast %lt3A : i32 to vector<16xi32>
        %lt3A_210 = arith.cmpi slt, %xor3A_83, %lt3A_209 : vector<16xi32>
        %add3A_211 = arith.constant 16 : i32
        %add3A_212 = vector.broadcast %add3A_211 : i32 to vector<16xi32>
        %add3A_213 = arith.addi %xor3A_83, %add3A_212 : vector<16xi32>
        %select_n3A = arith.select %lt3A_210, %add3A_213, %xor3A_83 : vector<16xi1>, vector<16xi32>
        %broadcast_in_dim3A_214 = vector.shape_cast %select_n3A : vector<16xi32> to vector<16x1xi32>
        %gather3A = vector.shape_cast %broadcast_in_dim3A_214 : vector<16x1xi32> to vector<16xi32>
        %gather3A_215 = tpu.dynamic_gather %mul3A_208[%gather3A] in [0] : vector<16xf32>, vector<16xi32> -> vector<16xf32>
        %add3A_216 = arith.addf %mul3A_208, %gather3A_215 : vector<16xf32>
        %lt3A_217 = arith.constant 0 : i32
        %lt3A_218 = vector.broadcast %lt3A_217 : i32 to vector<16xi32>
        %lt3A_219 = arith.cmpi slt, %xor3A_86, %lt3A_218 : vector<16xi32>
        %add3A_220 = arith.constant 16 : i32
        %add3A_221 = vector.broadcast %add3A_220 : i32 to vector<16xi32>
        %add3A_222 = arith.addi %xor3A_86, %add3A_221 : vector<16xi32>
        %select_n3A_223 = arith.select %lt3A_219, %add3A_222, %xor3A_86 : vector<16xi1>, vector<16xi32>
        %broadcast_in_dim3A_224 = vector.shape_cast %select_n3A_223 : vector<16xi32> to vector<16x1xi32>
        %gather3A_225 = vector.shape_cast %broadcast_in_dim3A_224 : vector<16x1xi32> to vector<16xi32>
        %gather3A_226 = tpu.dynamic_gather %add3A_216[%gather3A_225] in [0] : vector<16xf32>, vector<16xi32> -> vector<16xf32>
        %add3A_227 = arith.addf %add3A_216, %gather3A_226 : vector<16xf32>
        %lt3A_228 = arith.constant 0 : i32
        %lt3A_229 = vector.broadcast %lt3A_228 : i32 to vector<16xi32>
        %lt3A_230 = arith.cmpi slt, %xor3A_89, %lt3A_229 : vector<16xi32>
        %add3A_231 = arith.constant 16 : i32
        %add3A_232 = vector.broadcast %add3A_231 : i32 to vector<16xi32>
        %add3A_233 = arith.addi %xor3A_89, %add3A_232 : vector<16xi32>
        %select_n3A_234 = arith.select %lt3A_230, %add3A_233, %xor3A_89 : vector<16xi1>, vector<16xi32>
        %broadcast_in_dim3A_235 = vector.shape_cast %select_n3A_234 : vector<16xi32> to vector<16x1xi32>
        %gather3A_236 = vector.shape_cast %broadcast_in_dim3A_235 : vector<16x1xi32> to vector<16xi32>
        %gather3A_237 = tpu.dynamic_gather %add3A_227[%gather3A_236] in [0] : vector<16xf32>, vector<16xi32> -> vector<16xf32>
        %add3A_238 = arith.addf %add3A_227, %gather3A_237 : vector<16xf32>
        %lt3A_239 = arith.constant 0 : i32
        %lt3A_240 = vector.broadcast %lt3A_239 : i32 to vector<16xi32>
        %lt3A_241 = arith.cmpi slt, %xor3A_92, %lt3A_240 : vector<16xi32>
        %add3A_242 = arith.constant 16 : i32
        %add3A_243 = vector.broadcast %add3A_242 : i32 to vector<16xi32>
        %add3A_244 = arith.addi %xor3A_92, %add3A_243 : vector<16xi32>
        %select_n3A_245 = arith.select %lt3A_241, %add3A_244, %xor3A_92 : vector<16xi1>, vector<16xi32>
        %broadcast_in_dim3A_246 = vector.shape_cast %select_n3A_245 : vector<16xi32> to vector<16x1xi32>
        %gather3A_247 = vector.shape_cast %broadcast_in_dim3A_246 : vector<16x1xi32> to vector<16xi32>
        %gather3A_248 = tpu.dynamic_gather %add3A_238[%gather3A_247] in [0] : vector<16xf32>, vector<16xi32> -> vector<16xf32>
        %add3A_249 = arith.addf %add3A_238, %gather3A_248 : vector<16xf32>
        %exp3A = math.exp %add3A_249 : vector<16xf32>
        %mul3A_250 = arith.mulf %get3A_199, %exp3A : vector<16xf32>
        %swap3A_251 = arith.index_cast %scan3A_195 : i32 to index
        %swap3A_252 = arith.constant 0 : index
        %swap3A_253 = tpu.vector_load %arg15[%swap3A_251, %swap3A_252] {strides = array<i32>} : memref<80x128xf32, #tpu.memory_space<vmem>>, vector<1x16xf32>,
        %swap3A_254 = vector.shape_cast %swap3A_253 : vector<1x16xf32> to vector<16xf32>
        %swap3A_255 = vector.shape_cast %mul3A_250 : vector<16xf32> to vector<1x16xf32>
        tpu.vector_store %arg15[%swap3A_251, %swap3A_252], %swap3A_255 {strides = array<i32>} : memref<80x128xf32, #tpu.memory_space<vmem>>, vector<1x16xf32>,
        %eq3A = arith.constant 0 : i32
        %eq3A_256 = vector.broadcast %eq3A : i32 to vector<16xi32>
        %eq3A_257 = arith.cmpi eq, %iota3A, %eq3A_256 : vector<16xi32>
        %select_n3A_258 = arith.select %eq3A_257, %exp3A, %broadcast_in_dim3A_1 : vector<16xi1>, vector<16xf32>
        %get3A_259 = arith.index_cast %scan3A_195 : i32 to index
        %get3A_260 = arith.constant 16 : index
        %get3A_261 = tpu.vector_load %arg13[%get3A_259, %get3A_260] {strides = array<i32>} : memref<80x128xf32, #tpu.memory_space<vmem>>, vector<1x16xf32>,
        %get3A_262 = vector.shape_cast %get3A_261 : vector<1x16xf32> to vector<16xf32>
        %get3A_263 = arith.index_cast %scan3A_195 : i32 to index
        %get3A_264 = arith.constant 16 : index
        %get3A_265 = tpu.vector_load %arg14[%get3A_263, %get3A_264] {strides = array<i32>} : memref<80x128xf32, #tpu.memory_space<vmem>>, vector<1x16xf32>,
        %get3A_266 = vector.shape_cast %get3A_265 : vector<1x16xf32> to vector<16xf32>
        %add3A_267 = arith.addf %get3A_262, %get3A_266 : vector<16xf32>
        %mul3A_268 = arith.constant 2.000000e-01 : f32
        %mul3A_269 = vector.broadcast %mul3A_268 : f32 to vector<16xf32>
        %mul3A_270 = arith.mulf %add3A_267, %mul3A_269 : vector<16xf32>
        %max3A_271 = arith.maximumf %add3A_267, %mul3A_270 : vector<16xf32>
        %mul3A_272 = arith.mulf %max3A_271, %get3A_51 : vector<16xf32>
        %lt3A_273 = arith.constant 0 : i32
        %lt3A_274 = vector.broadcast %lt3A_273 : i32 to vector<16xi32>
        %lt3A_275 = arith.cmpi slt, %xor3A_83, %lt3A_274 : vector<16xi32>
        %add3A_276 = arith.constant 16 : i32
        %add3A_277 = vector.broadcast %add3A_276 : i32 to vector<16xi32>
        %add3A_278 = arith.addi %xor3A_83, %add3A_277 : vector<16xi32>
        %select_n3A_279 = arith.select %lt3A_275, %add3A_278, %xor3A_83 : vector<16xi1>, vector<16xi32>
        %broadcast_in_dim3A_280 = vector.shape_cast %select_n3A_279 : vector<16xi32> to vector<16x1xi32>
        %gather3A_281 = vector.shape_cast %broadcast_in_dim3A_280 : vector<16x1xi32> to vector<16xi32>
        %gather3A_282 = tpu.dynamic_gather %mul3A_272[%gather3A_281] in [0] : vector<16xf32>, vector<16xi32> -> vector<16xf32>
        %add3A_283 = arith.addf %mul3A_272, %gather3A_282 : vector<16xf32>
        %lt3A_284 = arith.constant 0 : i32
        %lt3A_285 = vector.broadcast %lt3A_284 : i32 to vector<16xi32>
        %lt3A_286 = arith.cmpi slt, %xor3A_86, %lt3A_285 : vector<16xi32>
        %add3A_287 = arith.constant 16 : i32
        %add3A_288 = vector.broadcast %add3A_287 : i32 to vector<16xi32>
        %add3A_289 = arith.addi %xor3A_86, %add3A_288 : vector<16xi32>
        %select_n3A_290 = arith.select %lt3A_286, %add3A_289, %xor3A_86 : vector<16xi1>, vector<16xi32>
        %broadcast_in_dim3A_291 = vector.shape_cast %select_n3A_290 : vector<16xi32> to vector<16x1xi32>
        %gather3A_292 = vector.shape_cast %broadcast_in_dim3A_291 : vector<16x1xi32> to vector<16xi32>
        %gather3A_293 = tpu.dynamic_gather %add3A_283[%gather3A_292] in [0] : vector<16xf32>, vector<16xi32> -> vector<16xf32>
        %add3A_294 = arith.addf %add3A_283, %gather3A_293 : vector<16xf32>
        %lt3A_295 = arith.constant 0 : i32
        %lt3A_296 = vector.broadcast %lt3A_295 : i32 to vector<16xi32>
        %lt3A_297 = arith.cmpi slt, %xor3A_89, %lt3A_296 : vector<16xi32>
        %add3A_298 = arith.constant 16 : i32
        %add3A_299 = vector.broadcast %add3A_298 : i32 to vector<16xi32>
        %add3A_300 = arith.addi %xor3A_89, %add3A_299 : vector<16xi32>
        %select_n3A_301 = arith.select %lt3A_297, %add3A_300, %xor3A_89 : vector<16xi1>, vector<16xi32>
        %broadcast_in_dim3A_302 = vector.shape_cast %select_n3A_301 : vector<16xi32> to vector<16x1xi32>
        %gather3A_303 = vector.shape_cast %broadcast_in_dim3A_302 : vector<16x1xi32> to vector<16xi32>
        %gather3A_304 = tpu.dynamic_gather %add3A_294[%gather3A_303] in [0] : vector<16xf32>, vector<16xi32> -> vector<16xf32>
        %add3A_305 = arith.addf %add3A_294, %gather3A_304 : vector<16xf32>
        %lt3A_306 = arith.constant 0 : i32
        %lt3A_307 = vector.broadcast %lt3A_306 : i32 to vector<16xi32>
        %lt3A_308 = arith.cmpi slt, %xor3A_92, %lt3A_307 : vector<16xi32>
        %add3A_309 = arith.constant 16 : i32
        %add3A_310 = vector.broadcast %add3A_309 : i32 to vector<16xi32>
        %add3A_311 = arith.addi %xor3A_92, %add3A_310 : vector<16xi32>
        %select_n3A_312 = arith.select %lt3A_308, %add3A_311, %xor3A_92 : vector<16xi1>, vector<16xi32>
        %broadcast_in_dim3A_313 = vector.shape_cast %select_n3A_312 : vector<16xi32> to vector<16x1xi32>
        %gather3A_314 = vector.shape_cast %broadcast_in_dim3A_313 : vector<16x1xi32> to vector<16xi32>
        %gather3A_315 = tpu.dynamic_gather %add3A_305[%gather3A_314] in [0] : vector<16xf32>, vector<16xi32> -> vector<16xf32>
        %add3A_316 = arith.addf %add3A_305, %gather3A_315 : vector<16xf32>
        %exp3A_317 = math.exp %add3A_316 : vector<16xf32>
        %mul3A_318 = arith.mulf %get3A_262, %exp3A_317 : vector<16xf32>
        %swap3A_319 = arith.index_cast %scan3A_195 : i32 to index
        %swap3A_320 = arith.constant 16 : index
        %swap3A_321 = tpu.vector_load %arg15[%swap3A_319, %swap3A_320] {strides = array<i32>} : memref<80x128xf32, #tpu.memory_space<vmem>>, vector<1x16xf32>,
        %swap3A_322 = vector.shape_cast %swap3A_321 : vector<1x16xf32> to vector<16xf32>
        %swap3A_323 = vector.shape_cast %mul3A_318 : vector<16xf32> to vector<1x16xf32>
        tpu.vector_store %arg15[%swap3A_319, %swap3A_320], %swap3A_323 {strides = array<i32>} : memref<80x128xf32, #tpu.memory_space<vmem>>, vector<1x16xf32>,
        %eq3A_324 = arith.constant 1 : i32
        %eq3A_325 = vector.broadcast %eq3A_324 : i32 to vector<16xi32>
        %eq3A_326 = arith.cmpi eq, %iota3A, %eq3A_325 : vector<16xi32>
        %select_n3A_327 = arith.select %eq3A_326, %exp3A_317, %select_n3A_258 : vector<16xi1>, vector<16xf32>
        %get3A_328 = arith.index_cast %scan3A_195 : i32 to index
        %get3A_329 = arith.constant 32 : index
        %get3A_330 = tpu.vector_load %arg13[%get3A_328, %get3A_329] {strides = array<i32>} : memref<80x128xf32, #tpu.memory_space<vmem>>, vector<1x16xf32>,
        %get3A_331 = vector.shape_cast %get3A_330 : vector<1x16xf32> to vector<16xf32>
        %get3A_332 = arith.index_cast %scan3A_195 : i32 to index
        %get3A_333 = arith.constant 32 : index
        %get3A_334 = tpu.vector_load %arg14[%get3A_332, %get3A_333] {strides = array<i32>} : memref<80x128xf32, #tpu.memory_space<vmem>>, vector<1x16xf32>,
        %get3A_335 = vector.shape_cast %get3A_334 : vector<1x16xf32> to vector<16xf32>
        %add3A_336 = arith.addf %get3A_331, %get3A_335 : vector<16xf32>
        %mul3A_337 = arith.constant 2.000000e-01 : f32
        %mul3A_338 = vector.broadcast %mul3A_337 : f32 to vector<16xf32>
        %mul3A_339 = arith.mulf %add3A_336, %mul3A_338 : vector<16xf32>
        %max3A_340 = arith.maximumf %add3A_336, %mul3A_339 : vector<16xf32>
        %mul3A_341 = arith.mulf %max3A_340, %get3A_56 : vector<16xf32>
        %lt3A_342 = arith.constant 0 : i32
        %lt3A_343 = vector.broadcast %lt3A_342 : i32 to vector<16xi32>
        %lt3A_344 = arith.cmpi slt, %xor3A_83, %lt3A_343 : vector<16xi32>
        %add3A_345 = arith.constant 16 : i32
        %add3A_346 = vector.broadcast %add3A_345 : i32 to vector<16xi32>
        %add3A_347 = arith.addi %xor3A_83, %add3A_346 : vector<16xi32>
        %select_n3A_348 = arith.select %lt3A_344, %add3A_347, %xor3A_83 : vector<16xi1>, vector<16xi32>
        %broadcast_in_dim3A_349 = vector.shape_cast %select_n3A_348 : vector<16xi32> to vector<16x1xi32>
        %gather3A_350 = vector.shape_cast %broadcast_in_dim3A_349 : vector<16x1xi32> to vector<16xi32>
        %gather3A_351 = tpu.dynamic_gather %mul3A_341[%gather3A_350] in [0] : vector<16xf32>, vector<16xi32> -> vector<16xf32>
        %add3A_352 = arith.addf %mul3A_341, %gather3A_351 : vector<16xf32>
        %lt3A_353 = arith.constant 0 : i32
        %lt3A_354 = vector.broadcast %lt3A_353 : i32 to vector<16xi32>
        %lt3A_355 = arith.cmpi slt, %xor3A_86, %lt3A_354 : vector<16xi32>
        %add3A_356 = arith.constant 16 : i32
        %add3A_357 = vector.broadcast %add3A_356 : i32 to vector<16xi32>
        %add3A_358 = arith.addi %xor3A_86, %add3A_357 : vector<16xi32>
        %select_n3A_359 = arith.select %lt3A_355, %add3A_358, %xor3A_86 : vector<16xi1>, vector<16xi32>
        %broadcast_in_dim3A_360 = vector.shape_cast %select_n3A_359 : vector<16xi32> to vector<16x1xi32>
        %gather3A_361 = vector.shape_cast %broadcast_in_dim3A_360 : vector<16x1xi32> to vector<16xi32>
        %gather3A_362 = tpu.dynamic_gather %add3A_352[%gather3A_361] in [0] : vector<16xf32>, vector<16xi32> -> vector<16xf32>
        %add3A_363 = arith.addf %add3A_352, %gather3A_362 : vector<16xf32>
        %lt3A_364 = arith.constant 0 : i32
        %lt3A_365 = vector.broadcast %lt3A_364 : i32 to vector<16xi32>
        %lt3A_366 = arith.cmpi slt, %xor3A_89, %lt3A_365 : vector<16xi32>
        %add3A_367 = arith.constant 16 : i32
        %add3A_368 = vector.broadcast %add3A_367 : i32 to vector<16xi32>
        %add3A_369 = arith.addi %xor3A_89, %add3A_368 : vector<16xi32>
        %select_n3A_370 = arith.select %lt3A_366, %add3A_369, %xor3A_89 : vector<16xi1>, vector<16xi32>
        %broadcast_in_dim3A_371 = vector.shape_cast %select_n3A_370 : vector<16xi32> to vector<16x1xi32>
        %gather3A_372 = vector.shape_cast %broadcast_in_dim3A_371 : vector<16x1xi32> to vector<16xi32>
        %gather3A_373 = tpu.dynamic_gather %add3A_363[%gather3A_372] in [0] : vector<16xf32>, vector<16xi32> -> vector<16xf32>
        %add3A_374 = arith.addf %add3A_363, %gather3A_373 : vector<16xf32>
        %lt3A_375 = arith.constant 0 : i32
        %lt3A_376 = vector.broadcast %lt3A_375 : i32 to vector<16xi32>
        %lt3A_377 = arith.cmpi slt, %xor3A_92, %lt3A_376 : vector<16xi32>
        %add3A_378 = arith.constant 16 : i32
        %add3A_379 = vector.broadcast %add3A_378 : i32 to vector<16xi32>
        %add3A_380 = arith.addi %xor3A_92, %add3A_379 : vector<16xi32>
        %select_n3A_381 = arith.select %lt3A_377, %add3A_380, %xor3A_92 : vector<16xi1>, vector<16xi32>
        %broadcast_in_dim3A_382 = vector.shape_cast %select_n3A_381 : vector<16xi32> to vector<16x1xi32>
        %gather3A_383 = vector.shape_cast %broadcast_in_dim3A_382 : vector<16x1xi32> to vector<16xi32>
        %gather3A_384 = tpu.dynamic_gather %add3A_374[%gather3A_383] in [0] : vector<16xf32>, vector<16xi32> -> vector<16xf32>
        %add3A_385 = arith.addf %add3A_374, %gather3A_384 : vector<16xf32>
        %exp3A_386 = math.exp %add3A_385 : vector<16xf32>
        %mul3A_387 = arith.mulf %get3A_331, %exp3A_386 : vector<16xf32>
        %swap3A_388 = arith.index_cast %scan3A_195 : i32 to index
        %swap3A_389 = arith.constant 32 : index
        %swap3A_390 = tpu.vector_load %arg15[%swap3A_388, %swap3A_389] {strides = array<i32>} : memref<80x128xf32, #tpu.memory_space<vmem>>, vector<1x16xf32>,
        %swap3A_391 = vector.shape_cast %swap3A_390 : vector<1x16xf32> to vector<16xf32>
        %swap3A_392 = vector.shape_cast %mul3A_387 : vector<16xf32> to vector<1x16xf32>
        tpu.vector_store %arg15[%swap3A_388, %swap3A_389], %swap3A_392 {strides = array<i32>} : memref<80x128xf32, #tpu.memory_space<vmem>>, vector<1x16xf32>,
        %eq3A_393 = arith.constant 2 : i32
        %eq3A_394 = vector.broadcast %eq3A_393 : i32 to vector<16xi32>
        %eq3A_395 = arith.cmpi eq, %iota3A, %eq3A_394 : vector<16xi32>
        %select_n3A_396 = arith.select %eq3A_395, %exp3A_386, %select_n3A_327 : vector<16xi1>, vector<16xf32>
        %get3A_397 = arith.index_cast %scan3A_195 : i32 to index
        %get3A_398 = arith.constant 48 : index
        %get3A_399 = tpu.vector_load %arg13[%get3A_397, %get3A_398] {strides = array<i32>} : memref<80x128xf32, #tpu.memory_space<vmem>>, vector<1x16xf32>,
        %get3A_400 = vector.shape_cast %get3A_399 : vector<1x16xf32> to vector<16xf32>
        %get3A_401 = arith.index_cast %scan3A_195 : i32 to index
        %get3A_402 = arith.constant 48 : index
        %get3A_403 = tpu.vector_load %arg14[%get3A_401, %get3A_402] {strides = array<i32>} : memref<80x128xf32, #tpu.memory_space<vmem>>, vector<1x16xf32>,
        %get3A_404 = vector.shape_cast %get3A_403 : vector<1x16xf32> to vector<16xf32>
        %add3A_405 = arith.addf %get3A_400, %get3A_404 : vector<16xf32>
        %mul3A_406 = arith.constant 2.000000e-01 : f32
        %mul3A_407 = vector.broadcast %mul3A_406 : f32 to vector<16xf32>
        %mul3A_408 = arith.mulf %add3A_405, %mul3A_407 : vector<16xf32>
        %max3A_409 = arith.maximumf %add3A_405, %mul3A_408 : vector<16xf32>
        %mul3A_410 = arith.mulf %max3A_409, %get3A_61 : vector<16xf32>
        %lt3A_411 = arith.constant 0 : i32
        %lt3A_412 = vector.broadcast %lt3A_411 : i32 to vector<16xi32>
        %lt3A_413 = arith.cmpi slt, %xor3A_83, %lt3A_412 : vector<16xi32>
        %add3A_414 = arith.constant 16 : i32
        %add3A_415 = vector.broadcast %add3A_414 : i32 to vector<16xi32>
        %add3A_416 = arith.addi %xor3A_83, %add3A_415 : vector<16xi32>
        %select_n3A_417 = arith.select %lt3A_413, %add3A_416, %xor3A_83 : vector<16xi1>, vector<16xi32>
        %broadcast_in_dim3A_418 = vector.shape_cast %select_n3A_417 : vector<16xi32> to vector<16x1xi32>
        %gather3A_419 = vector.shape_cast %broadcast_in_dim3A_418 : vector<16x1xi32> to vector<16xi32>
        %gather3A_420 = tpu.dynamic_gather %mul3A_410[%gather3A_419] in [0] : vector<16xf32>, vector<16xi32> -> vector<16xf32>
        %add3A_421 = arith.addf %mul3A_410, %gather3A_420 : vector<16xf32>
        %lt3A_422 = arith.constant 0 : i32
        %lt3A_423 = vector.broadcast %lt3A_422 : i32 to vector<16xi32>
        %lt3A_424 = arith.cmpi slt, %xor3A_86, %lt3A_423 : vector<16xi32>
        %add3A_425 = arith.constant 16 : i32
        %add3A_426 = vector.broadcast %add3A_425 : i32 to vector<16xi32>
        %add3A_427 = arith.addi %xor3A_86, %add3A_426 : vector<16xi32>
        %select_n3A_428 = arith.select %lt3A_424, %add3A_427, %xor3A_86 : vector<16xi1>, vector<16xi32>
        %broadcast_in_dim3A_429 = vector.shape_cast %select_n3A_428 : vector<16xi32> to vector<16x1xi32>
        %gather3A_430 = vector.shape_cast %broadcast_in_dim3A_429 : vector<16x1xi32> to vector<16xi32>
        %gather3A_431 = tpu.dynamic_gather %add3A_421[%gather3A_430] in [0] : vector<16xf32>, vector<16xi32> -> vector<16xf32>
        %add3A_432 = arith.addf %add3A_421, %gather3A_431 : vector<16xf32>
        %lt3A_433 = arith.constant 0 : i32
        %lt3A_434 = vector.broadcast %lt3A_433 : i32 to vector<16xi32>
        %lt3A_435 = arith.cmpi slt, %xor3A_89, %lt3A_434 : vector<16xi32>
        %add3A_436 = arith.constant 16 : i32
        %add3A_437 = vector.broadcast %add3A_436 : i32 to vector<16xi32>
        %add3A_438 = arith.addi %xor3A_89, %add3A_437 : vector<16xi32>
        %select_n3A_439 = arith.select %lt3A_435, %add3A_438, %xor3A_89 : vector<16xi1>, vector<16xi32>
        %broadcast_in_dim3A_440 = vector.shape_cast %select_n3A_439 : vector<16xi32> to vector<16x1xi32>
        %gather3A_441 = vector.shape_cast %broadcast_in_dim3A_440 : vector<16x1xi32> to vector<16xi32>
        %gather3A_442 = tpu.dynamic_gather %add3A_432[%gather3A_441] in [0] : vector<16xf32>, vector<16xi32> -> vector<16xf32>
        %add3A_443 = arith.addf %add3A_432, %gather3A_442 : vector<16xf32>
        %lt3A_444 = arith.constant 0 : i32
        %lt3A_445 = vector.broadcast %lt3A_444 : i32 to vector<16xi32>
        %lt3A_446 = arith.cmpi slt, %xor3A_92, %lt3A_445 : vector<16xi32>
        %add3A_447 = arith.constant 16 : i32
        %add3A_448 = vector.broadcast %add3A_447 : i32 to vector<16xi32>
        %add3A_449 = arith.addi %xor3A_92, %add3A_448 : vector<16xi32>
        %select_n3A_450 = arith.select %lt3A_446, %add3A_449, %xor3A_92 : vector<16xi1>, vector<16xi32>
        %broadcast_in_dim3A_451 = vector.shape_cast %select_n3A_450 : vector<16xi32> to vector<16x1xi32>
        %gather3A_452 = vector.shape_cast %broadcast_in_dim3A_451 : vector<16x1xi32> to vector<16xi32>
        %gather3A_453 = tpu.dynamic_gather %add3A_443[%gather3A_452] in [0] : vector<16xf32>, vector<16xi32> -> vector<16xf32>
        %add3A_454 = arith.addf %add3A_443, %gather3A_453 : vector<16xf32>
        %exp3A_455 = math.exp %add3A_454 : vector<16xf32>
        %mul3A_456 = arith.mulf %get3A_400, %exp3A_455 : vector<16xf32>
        %swap3A_457 = arith.index_cast %scan3A_195 : i32 to index
        %swap3A_458 = arith.constant 48 : index
        %swap3A_459 = tpu.vector_load %arg15[%swap3A_457, %swap3A_458] {strides = array<i32>} : memref<80x128xf32, #tpu.memory_space<vmem>>, vector<1x16xf32>,
        %swap3A_460 = vector.shape_cast %swap3A_459 : vector<1x16xf32> to vector<16xf32>
        %swap3A_461 = vector.shape_cast %mul3A_456 : vector<16xf32> to vector<1x16xf32>
        tpu.vector_store %arg15[%swap3A_457, %swap3A_458], %swap3A_461 {strides = array<i32>} : memref<80x128xf32, #tpu.memory_space<vmem>>, vector<1x16xf32>,
        %eq3A_462 = arith.constant 3 : i32
        %eq3A_463 = vector.broadcast %eq3A_462 : i32 to vector<16xi32>
        %eq3A_464 = arith.cmpi eq, %iota3A, %eq3A_463 : vector<16xi32>
        %select_n3A_465 = arith.select %eq3A_464, %exp3A_455, %select_n3A_396 : vector<16xi1>, vector<16xf32>
        %get3A_466 = arith.index_cast %scan3A_195 : i32 to index
        %get3A_467 = arith.constant 64 : index
        %get3A_468 = tpu.vector_load %arg13[%get3A_466, %get3A_467] {strides = array<i32>} : memref<80x128xf32, #tpu.memory_space<vmem>>, vector<1x16xf32>,
        %get3A_469 = vector.shape_cast %get3A_468 : vector<1x16xf32> to vector<16xf32>
        %get3A_470 = arith.index_cast %scan3A_195 : i32 to index
        %get3A_471 = arith.constant 64 : index
        %get3A_472 = tpu.vector_load %arg14[%get3A_470, %get3A_471] {strides = array<i32>} : memref<80x128xf32, #tpu.memory_space<vmem>>, vector<1x16xf32>,
        %get3A_473 = vector.shape_cast %get3A_472 : vector<1x16xf32> to vector<16xf32>
        %add3A_474 = arith.addf %get3A_469, %get3A_473 : vector<16xf32>
        %mul3A_475 = arith.constant 2.000000e-01 : f32
        %mul3A_476 = vector.broadcast %mul3A_475 : f32 to vector<16xf32>
        %mul3A_477 = arith.mulf %add3A_474, %mul3A_476 : vector<16xf32>
        %max3A_478 = arith.maximumf %add3A_474, %mul3A_477 : vector<16xf32>
        %mul3A_479 = arith.mulf %max3A_478, %get3A_66 : vector<16xf32>
        %lt3A_480 = arith.constant 0 : i32
        %lt3A_481 = vector.broadcast %lt3A_480 : i32 to vector<16xi32>
        %lt3A_482 = arith.cmpi slt, %xor3A_83, %lt3A_481 : vector<16xi32>
        %add3A_483 = arith.constant 16 : i32
        %add3A_484 = vector.broadcast %add3A_483 : i32 to vector<16xi32>
        %add3A_485 = arith.addi %xor3A_83, %add3A_484 : vector<16xi32>
        %select_n3A_486 = arith.select %lt3A_482, %add3A_485, %xor3A_83 : vector<16xi1>, vector<16xi32>
        %broadcast_in_dim3A_487 = vector.shape_cast %select_n3A_486 : vector<16xi32> to vector<16x1xi32>
        %gather3A_488 = vector.shape_cast %broadcast_in_dim3A_487 : vector<16x1xi32> to vector<16xi32>
        %gather3A_489 = tpu.dynamic_gather %mul3A_479[%gather3A_488] in [0] : vector<16xf32>, vector<16xi32> -> vector<16xf32>
        %add3A_490 = arith.addf %mul3A_479, %gather3A_489 : vector<16xf32>
        %lt3A_491 = arith.constant 0 : i32
        %lt3A_492 = vector.broadcast %lt3A_491 : i32 to vector<16xi32>
        %lt3A_493 = arith.cmpi slt, %xor3A_86, %lt3A_492 : vector<16xi32>
        %add3A_494 = arith.constant 16 : i32
        %add3A_495 = vector.broadcast %add3A_494 : i32 to vector<16xi32>
        %add3A_496 = arith.addi %xor3A_86, %add3A_495 : vector<16xi32>
        %select_n3A_497 = arith.select %lt3A_493, %add3A_496, %xor3A_86 : vector<16xi1>, vector<16xi32>
        %broadcast_in_dim3A_498 = vector.shape_cast %select_n3A_497 : vector<16xi32> to vector<16x1xi32>
        %gather3A_499 = vector.shape_cast %broadcast_in_dim3A_498 : vector<16x1xi32> to vector<16xi32>
        %gather3A_500 = tpu.dynamic_gather %add3A_490[%gather3A_499] in [0] : vector<16xf32>, vector<16xi32> -> vector<16xf32>
        %add3A_501 = arith.addf %add3A_490, %gather3A_500 : vector<16xf32>
        %lt3A_502 = arith.constant 0 : i32
        %lt3A_503 = vector.broadcast %lt3A_502 : i32 to vector<16xi32>
        %lt3A_504 = arith.cmpi slt, %xor3A_89, %lt3A_503 : vector<16xi32>
        %add3A_505 = arith.constant 16 : i32
        %add3A_506 = vector.broadcast %add3A_505 : i32 to vector<16xi32>
        %add3A_507 = arith.addi %xor3A_89, %add3A_506 : vector<16xi32>
        %select_n3A_508 = arith.select %lt3A_504, %add3A_507, %xor3A_89 : vector<16xi1>, vector<16xi32>
        %broadcast_in_dim3A_509 = vector.shape_cast %select_n3A_508 : vector<16xi32> to vector<16x1xi32>
        %gather3A_510 = vector.shape_cast %broadcast_in_dim3A_509 : vector<16x1xi32> to vector<16xi32>
        %gather3A_511 = tpu.dynamic_gather %add3A_501[%gather3A_510] in [0] : vector<16xf32>, vector<16xi32> -> vector<16xf32>
        %add3A_512 = arith.addf %add3A_501, %gather3A_511 : vector<16xf32>
        %lt3A_513 = arith.constant 0 : i32
        %lt3A_514 = vector.broadcast %lt3A_513 : i32 to vector<16xi32>
        %lt3A_515 = arith.cmpi slt, %xor3A_92, %lt3A_514 : vector<16xi32>
        %add3A_516 = arith.constant 16 : i32
        %add3A_517 = vector.broadcast %add3A_516 : i32 to vector<16xi32>
        %add3A_518 = arith.addi %xor3A_92, %add3A_517 : vector<16xi32>
        %select_n3A_519 = arith.select %lt3A_515, %add3A_518, %xor3A_92 : vector<16xi1>, vector<16xi32>
        %broadcast_in_dim3A_520 = vector.shape_cast %select_n3A_519 : vector<16xi32> to vector<16x1xi32>
        %gather3A_521 = vector.shape_cast %broadcast_in_dim3A_520 : vector<16x1xi32> to vector<16xi32>
        %gather3A_522 = tpu.dynamic_gather %add3A_512[%gather3A_521] in [0] : vector<16xf32>, vector<16xi32> -> vector<16xf32>
        %add3A_523 = arith.addf %add3A_512, %gather3A_522 : vector<16xf32>
        %exp3A_524 = math.exp %add3A_523 : vector<16xf32>
        %mul3A_525 = arith.mulf %get3A_469, %exp3A_524 : vector<16xf32>
        %swap3A_526 = arith.index_cast %scan3A_195 : i32 to index
        %swap3A_527 = arith.constant 64 : index
        %swap3A_528 = tpu.vector_load %arg15[%swap3A_526, %swap3A_527] {strides = array<i32>} : memref<80x128xf32, #tpu.memory_space<vmem>>, vector<1x16xf32>,
        %swap3A_529 = vector.shape_cast %swap3A_528 : vector<1x16xf32> to vector<16xf32>
        %swap3A_530 = vector.shape_cast %mul3A_525 : vector<16xf32> to vector<1x16xf32>
        tpu.vector_store %arg15[%swap3A_526, %swap3A_527], %swap3A_530 {strides = array<i32>} : memref<80x128xf32, #tpu.memory_space<vmem>>, vector<1x16xf32>,
        %eq3A_531 = arith.constant 4 : i32
        %eq3A_532 = vector.broadcast %eq3A_531 : i32 to vector<16xi32>
        %eq3A_533 = arith.cmpi eq, %iota3A, %eq3A_532 : vector<16xi32>
        %select_n3A_534 = arith.select %eq3A_533, %exp3A_524, %select_n3A_465 : vector<16xi1>, vector<16xf32>
        %get3A_535 = arith.index_cast %scan3A_195 : i32 to index
        %get3A_536 = arith.constant 80 : index
        %get3A_537 = tpu.vector_load %arg13[%get3A_535, %get3A_536] {strides = array<i32>} : memref<80x128xf32, #tpu.memory_space<vmem>>, vector<1x16xf32>,
        %get3A_538 = vector.shape_cast %get3A_537 : vector<1x16xf32> to vector<16xf32>
        %get3A_539 = arith.index_cast %scan3A_195 : i32 to index
        %get3A_540 = arith.constant 80 : index
        %get3A_541 = tpu.vector_load %arg14[%get3A_539, %get3A_540] {strides = array<i32>} : memref<80x128xf32, #tpu.memory_space<vmem>>, vector<1x16xf32>,
        %get3A_542 = vector.shape_cast %get3A_541 : vector<1x16xf32> to vector<16xf32>
        %add3A_543 = arith.addf %get3A_538, %get3A_542 : vector<16xf32>
        %mul3A_544 = arith.constant 2.000000e-01 : f32
        %mul3A_545 = vector.broadcast %mul3A_544 : f32 to vector<16xf32>
        %mul3A_546 = arith.mulf %add3A_543, %mul3A_545 : vector<16xf32>
        %max3A_547 = arith.maximumf %add3A_543, %mul3A_546 : vector<16xf32>
        %mul3A_548 = arith.mulf %max3A_547, %get3A_71 : vector<16xf32>
        %lt3A_549 = arith.constant 0 : i32
        %lt3A_550 = vector.broadcast %lt3A_549 : i32 to vector<16xi32>
        %lt3A_551 = arith.cmpi slt, %xor3A_83, %lt3A_550 : vector<16xi32>
        %add3A_552 = arith.constant 16 : i32
        %add3A_553 = vector.broadcast %add3A_552 : i32 to vector<16xi32>
        %add3A_554 = arith.addi %xor3A_83, %add3A_553 : vector<16xi32>
        %select_n3A_555 = arith.select %lt3A_551, %add3A_554, %xor3A_83 : vector<16xi1>, vector<16xi32>
        %broadcast_in_dim3A_556 = vector.shape_cast %select_n3A_555 : vector<16xi32> to vector<16x1xi32>
        %gather3A_557 = vector.shape_cast %broadcast_in_dim3A_556 : vector<16x1xi32> to vector<16xi32>
        %gather3A_558 = tpu.dynamic_gather %mul3A_548[%gather3A_557] in [0] : vector<16xf32>, vector<16xi32> -> vector<16xf32>
        %add3A_559 = arith.addf %mul3A_548, %gather3A_558 : vector<16xf32>
        %lt3A_560 = arith.constant 0 : i32
        %lt3A_561 = vector.broadcast %lt3A_560 : i32 to vector<16xi32>
        %lt3A_562 = arith.cmpi slt, %xor3A_86, %lt3A_561 : vector<16xi32>
        %add3A_563 = arith.constant 16 : i32
        %add3A_564 = vector.broadcast %add3A_563 : i32 to vector<16xi32>
        %add3A_565 = arith.addi %xor3A_86, %add3A_564 : vector<16xi32>
        %select_n3A_566 = arith.select %lt3A_562, %add3A_565, %xor3A_86 : vector<16xi1>, vector<16xi32>
        %broadcast_in_dim3A_567 = vector.shape_cast %select_n3A_566 : vector<16xi32> to vector<16x1xi32>
        %gather3A_568 = vector.shape_cast %broadcast_in_dim3A_567 : vector<16x1xi32> to vector<16xi32>
        %gather3A_569 = tpu.dynamic_gather %add3A_559[%gather3A_568] in [0] : vector<16xf32>, vector<16xi32> -> vector<16xf32>
        %add3A_570 = arith.addf %add3A_559, %gather3A_569 : vector<16xf32>
        %lt3A_571 = arith.constant 0 : i32
        %lt3A_572 = vector.broadcast %lt3A_571 : i32 to vector<16xi32>
        %lt3A_573 = arith.cmpi slt, %xor3A_89, %lt3A_572 : vector<16xi32>
        %add3A_574 = arith.constant 16 : i32
        %add3A_575 = vector.broadcast %add3A_574 : i32 to vector<16xi32>
        %add3A_576 = arith.addi %xor3A_89, %add3A_575 : vector<16xi32>
        %select_n3A_577 = arith.select %lt3A_573, %add3A_576, %xor3A_89 : vector<16xi1>, vector<16xi32>
        %broadcast_in_dim3A_578 = vector.shape_cast %select_n3A_577 : vector<16xi32> to vector<16x1xi32>
        %gather3A_579 = vector.shape_cast %broadcast_in_dim3A_578 : vector<16x1xi32> to vector<16xi32>
        %gather3A_580 = tpu.dynamic_gather %add3A_570[%gather3A_579] in [0] : vector<16xf32>, vector<16xi32> -> vector<16xf32>
        %add3A_581 = arith.addf %add3A_570, %gather3A_580 : vector<16xf32>
        %lt3A_582 = arith.constant 0 : i32
        %lt3A_583 = vector.broadcast %lt3A_582 : i32 to vector<16xi32>
        %lt3A_584 = arith.cmpi slt, %xor3A_92, %lt3A_583 : vector<16xi32>
        %add3A_585 = arith.constant 16 : i32
        %add3A_586 = vector.broadcast %add3A_585 : i32 to vector<16xi32>
        %add3A_587 = arith.addi %xor3A_92, %add3A_586 : vector<16xi32>
        %select_n3A_588 = arith.select %lt3A_584, %add3A_587, %xor3A_92 : vector<16xi1>, vector<16xi32>
        %broadcast_in_dim3A_589 = vector.shape_cast %select_n3A_588 : vector<16xi32> to vector<16x1xi32>
        %gather3A_590 = vector.shape_cast %broadcast_in_dim3A_589 : vector<16x1xi32> to vector<16xi32>
        %gather3A_591 = tpu.dynamic_gather %add3A_581[%gather3A_590] in [0] : vector<16xf32>, vector<16xi32> -> vector<16xf32>
        %add3A_592 = arith.addf %add3A_581, %gather3A_591 : vector<16xf32>
        %exp3A_593 = math.exp %add3A_592 : vector<16xf32>
        %mul3A_594 = arith.mulf %get3A_538, %exp3A_593 : vector<16xf32>
        %swap3A_595 = arith.index_cast %scan3A_195 : i32 to index
        %swap3A_596 = arith.constant 80 : index
        %swap3A_597 = tpu.vector_load %arg15[%swap3A_595, %swap3A_596] {strides = array<i32>} : memref<80x128xf32, #tpu.memory_space<vmem>>, vector<1x16xf32>,
        %swap3A_598 = vector.shape_cast %swap3A_597 : vector<1x16xf32> to vector<16xf32>
        %swap3A_599 = vector.shape_cast %mul3A_594 : vector<16xf32> to vector<1x16xf32>
        tpu.vector_store %arg15[%swap3A_595, %swap3A_596], %swap3A_599 {strides = array<i32>} : memref<80x128xf32, #tpu.memory_space<vmem>>, vector<1x16xf32>,
        %eq3A_600 = arith.constant 5 : i32
        %eq3A_601 = vector.broadcast %eq3A_600 : i32 to vector<16xi32>
        %eq3A_602 = arith.cmpi eq, %iota3A, %eq3A_601 : vector<16xi32>
        %select_n3A_603 = arith.select %eq3A_602, %exp3A_593, %select_n3A_534 : vector<16xi1>, vector<16xf32>
        %get3A_604 = arith.index_cast %scan3A_195 : i32 to index
        %get3A_605 = arith.constant 96 : index
        %get3A_606 = tpu.vector_load %arg13[%get3A_604, %get3A_605] {strides = array<i32>} : memref<80x128xf32, #tpu.memory_space<vmem>>, vector<1x16xf32>,
        %get3A_607 = vector.shape_cast %get3A_606 : vector<1x16xf32> to vector<16xf32>
        %get3A_608 = arith.index_cast %scan3A_195 : i32 to index
        %get3A_609 = arith.constant 96 : index
        %get3A_610 = tpu.vector_load %arg14[%get3A_608, %get3A_609] {strides = array<i32>} : memref<80x128xf32, #tpu.memory_space<vmem>>, vector<1x16xf32>,
        %get3A_611 = vector.shape_cast %get3A_610 : vector<1x16xf32> to vector<16xf32>
        %add3A_612 = arith.addf %get3A_607, %get3A_611 : vector<16xf32>
        %mul3A_613 = arith.constant 2.000000e-01 : f32
        %mul3A_614 = vector.broadcast %mul3A_613 : f32 to vector<16xf32>
        %mul3A_615 = arith.mulf %add3A_612, %mul3A_614 : vector<16xf32>
        %max3A_616 = arith.maximumf %add3A_612, %mul3A_615 : vector<16xf32>
        %mul3A_617 = arith.mulf %max3A_616, %get3A_76 : vector<16xf32>
        %lt3A_618 = arith.constant 0 : i32
        %lt3A_619 = vector.broadcast %lt3A_618 : i32 to vector<16xi32>
        %lt3A_620 = arith.cmpi slt, %xor3A_83, %lt3A_619 : vector<16xi32>
        %add3A_621 = arith.constant 16 : i32
        %add3A_622 = vector.broadcast %add3A_621 : i32 to vector<16xi32>
        %add3A_623 = arith.addi %xor3A_83, %add3A_622 : vector<16xi32>
        %select_n3A_624 = arith.select %lt3A_620, %add3A_623, %xor3A_83 : vector<16xi1>, vector<16xi32>
        %broadcast_in_dim3A_625 = vector.shape_cast %select_n3A_624 : vector<16xi32> to vector<16x1xi32>
        %gather3A_626 = vector.shape_cast %broadcast_in_dim3A_625 : vector<16x1xi32> to vector<16xi32>
        %gather3A_627 = tpu.dynamic_gather %mul3A_617[%gather3A_626] in [0] : vector<16xf32>, vector<16xi32> -> vector<16xf32>
        %add3A_628 = arith.addf %mul3A_617, %gather3A_627 : vector<16xf32>
        %lt3A_629 = arith.constant 0 : i32
        %lt3A_630 = vector.broadcast %lt3A_629 : i32 to vector<16xi32>
        %lt3A_631 = arith.cmpi slt, %xor3A_86, %lt3A_630 : vector<16xi32>
        %add3A_632 = arith.constant 16 : i32
        %add3A_633 = vector.broadcast %add3A_632 : i32 to vector<16xi32>
        %add3A_634 = arith.addi %xor3A_86, %add3A_633 : vector<16xi32>
        %select_n3A_635 = arith.select %lt3A_631, %add3A_634, %xor3A_86 : vector<16xi1>, vector<16xi32>
        %broadcast_in_dim3A_636 = vector.shape_cast %select_n3A_635 : vector<16xi32> to vector<16x1xi32>
        %gather3A_637 = vector.shape_cast %broadcast_in_dim3A_636 : vector<16x1xi32> to vector<16xi32>
        %gather3A_638 = tpu.dynamic_gather %add3A_628[%gather3A_637] in [0] : vector<16xf32>, vector<16xi32> -> vector<16xf32>
        %add3A_639 = arith.addf %add3A_628, %gather3A_638 : vector<16xf32>
        %lt3A_640 = arith.constant 0 : i32
        %lt3A_641 = vector.broadcast %lt3A_640 : i32 to vector<16xi32>
        %lt3A_642 = arith.cmpi slt, %xor3A_89, %lt3A_641 : vector<16xi32>
        %add3A_643 = arith.constant 16 : i32
        %add3A_644 = vector.broadcast %add3A_643 : i32 to vector<16xi32>
        %add3A_645 = arith.addi %xor3A_89, %add3A_644 : vector<16xi32>
        %select_n3A_646 = arith.select %lt3A_642, %add3A_645, %xor3A_89 : vector<16xi1>, vector<16xi32>
        %broadcast_in_dim3A_647 = vector.shape_cast %select_n3A_646 : vector<16xi32> to vector<16x1xi32>
        %gather3A_648 = vector.shape_cast %broadcast_in_dim3A_647 : vector<16x1xi32> to vector<16xi32>
        %gather3A_649 = tpu.dynamic_gather %add3A_639[%gather3A_648] in [0] : vector<16xf32>, vector<16xi32> -> vector<16xf32>
        %add3A_650 = arith.addf %add3A_639, %gather3A_649 : vector<16xf32>
        %lt3A_651 = arith.constant 0 : i32
        %lt3A_652 = vector.broadcast %lt3A_651 : i32 to vector<16xi32>
        %lt3A_653 = arith.cmpi slt, %xor3A_92, %lt3A_652 : vector<16xi32>
        %add3A_654 = arith.constant 16 : i32
        %add3A_655 = vector.broadcast %add3A_654 : i32 to vector<16xi32>
        %add3A_656 = arith.addi %xor3A_92, %add3A_655 : vector<16xi32>
        %select_n3A_657 = arith.select %lt3A_653, %add3A_656, %xor3A_92 : vector<16xi1>, vector<16xi32>
        %broadcast_in_dim3A_658 = vector.shape_cast %select_n3A_657 : vector<16xi32> to vector<16x1xi32>
        %gather3A_659 = vector.shape_cast %broadcast_in_dim3A_658 : vector<16x1xi32> to vector<16xi32>
        %gather3A_660 = tpu.dynamic_gather %add3A_650[%gather3A_659] in [0] : vector<16xf32>, vector<16xi32> -> vector<16xf32>
        %add3A_661 = arith.addf %add3A_650, %gather3A_660 : vector<16xf32>
        %exp3A_662 = math.exp %add3A_661 : vector<16xf32>
        %mul3A_663 = arith.mulf %get3A_607, %exp3A_662 : vector<16xf32>
        %swap3A_664 = arith.index_cast %scan3A_195 : i32 to index
        %swap3A_665 = arith.constant 96 : index
        %swap3A_666 = tpu.vector_load %arg15[%swap3A_664, %swap3A_665] {strides = array<i32>} : memref<80x128xf32, #tpu.memory_space<vmem>>, vector<1x16xf32>,
        %swap3A_667 = vector.shape_cast %swap3A_666 : vector<1x16xf32> to vector<16xf32>
        %swap3A_668 = vector.shape_cast %mul3A_663 : vector<16xf32> to vector<1x16xf32>
        tpu.vector_store %arg15[%swap3A_664, %swap3A_665], %swap3A_668 {strides = array<i32>} : memref<80x128xf32, #tpu.memory_space<vmem>>, vector<1x16xf32>,
        %eq3A_669 = arith.constant 6 : i32
        %eq3A_670 = vector.broadcast %eq3A_669 : i32 to vector<16xi32>
        %eq3A_671 = arith.cmpi eq, %iota3A, %eq3A_670 : vector<16xi32>
        %select_n3A_672 = arith.select %eq3A_671, %exp3A_662, %select_n3A_603 : vector<16xi1>, vector<16xf32>
        %get3A_673 = arith.index_cast %scan3A_195 : i32 to index
        %get3A_674 = arith.constant 112 : index
        %get3A_675 = tpu.vector_load %arg13[%get3A_673, %get3A_674] {strides = array<i32>} : memref<80x128xf32, #tpu.memory_space<vmem>>, vector<1x16xf32>,
        %get3A_676 = vector.shape_cast %get3A_675 : vector<1x16xf32> to vector<16xf32>
        %get3A_677 = arith.index_cast %scan3A_195 : i32 to index
        %get3A_678 = arith.constant 112 : index
        %get3A_679 = tpu.vector_load %arg14[%get3A_677, %get3A_678] {strides = array<i32>} : memref<80x128xf32, #tpu.memory_space<vmem>>, vector<1x16xf32>,
        %get3A_680 = vector.shape_cast %get3A_679 : vector<1x16xf32> to vector<16xf32>
        %add3A_681 = arith.addf %get3A_676, %get3A_680 : vector<16xf32>
        %mul3A_682 = arith.constant 2.000000e-01 : f32
        %mul3A_683 = vector.broadcast %mul3A_682 : f32 to vector<16xf32>
        %mul3A_684 = arith.mulf %add3A_681, %mul3A_683 : vector<16xf32>
        %max3A_685 = arith.maximumf %add3A_681, %mul3A_684 : vector<16xf32>
        %mul3A_686 = arith.mulf %max3A_685, %get3A_81 : vector<16xf32>
        %lt3A_687 = arith.constant 0 : i32
        %lt3A_688 = vector.broadcast %lt3A_687 : i32 to vector<16xi32>
        %lt3A_689 = arith.cmpi slt, %xor3A_83, %lt3A_688 : vector<16xi32>
        %add3A_690 = arith.constant 16 : i32
        %add3A_691 = vector.broadcast %add3A_690 : i32 to vector<16xi32>
        %add3A_692 = arith.addi %xor3A_83, %add3A_691 : vector<16xi32>
        %select_n3A_693 = arith.select %lt3A_689, %add3A_692, %xor3A_83 : vector<16xi1>, vector<16xi32>
        %broadcast_in_dim3A_694 = vector.shape_cast %select_n3A_693 : vector<16xi32> to vector<16x1xi32>
        %gather3A_695 = vector.shape_cast %broadcast_in_dim3A_694 : vector<16x1xi32> to vector<16xi32>
        %gather3A_696 = tpu.dynamic_gather %mul3A_686[%gather3A_695] in [0] : vector<16xf32>, vector<16xi32> -> vector<16xf32>
        %add3A_697 = arith.addf %mul3A_686, %gather3A_696 : vector<16xf32>
        %lt3A_698 = arith.constant 0 : i32
        %lt3A_699 = vector.broadcast %lt3A_698 : i32 to vector<16xi32>
        %lt3A_700 = arith.cmpi slt, %xor3A_86, %lt3A_699 : vector<16xi32>
        %add3A_701 = arith.constant 16 : i32
        %add3A_702 = vector.broadcast %add3A_701 : i32 to vector<16xi32>
        %add3A_703 = arith.addi %xor3A_86, %add3A_702 : vector<16xi32>
        %select_n3A_704 = arith.select %lt3A_700, %add3A_703, %xor3A_86 : vector<16xi1>, vector<16xi32>
        %broadcast_in_dim3A_705 = vector.shape_cast %select_n3A_704 : vector<16xi32> to vector<16x1xi32>
        %gather3A_706 = vector.shape_cast %broadcast_in_dim3A_705 : vector<16x1xi32> to vector<16xi32>
        %gather3A_707 = tpu.dynamic_gather %add3A_697[%gather3A_706] in [0] : vector<16xf32>, vector<16xi32> -> vector<16xf32>
        %add3A_708 = arith.addf %add3A_697, %gather3A_707 : vector<16xf32>
        %lt3A_709 = arith.constant 0 : i32
        %lt3A_710 = vector.broadcast %lt3A_709 : i32 to vector<16xi32>
        %lt3A_711 = arith.cmpi slt, %xor3A_89, %lt3A_710 : vector<16xi32>
        %add3A_712 = arith.constant 16 : i32
        %add3A_713 = vector.broadcast %add3A_712 : i32 to vector<16xi32>
        %add3A_714 = arith.addi %xor3A_89, %add3A_713 : vector<16xi32>
        %select_n3A_715 = arith.select %lt3A_711, %add3A_714, %xor3A_89 : vector<16xi1>, vector<16xi32>
        %broadcast_in_dim3A_716 = vector.shape_cast %select_n3A_715 : vector<16xi32> to vector<16x1xi32>
        %gather3A_717 = vector.shape_cast %broadcast_in_dim3A_716 : vector<16x1xi32> to vector<16xi32>
        %gather3A_718 = tpu.dynamic_gather %add3A_708[%gather3A_717] in [0] : vector<16xf32>, vector<16xi32> -> vector<16xf32>
        %add3A_719 = arith.addf %add3A_708, %gather3A_718 : vector<16xf32>
        %lt3A_720 = arith.constant 0 : i32
        %lt3A_721 = vector.broadcast %lt3A_720 : i32 to vector<16xi32>
        %lt3A_722 = arith.cmpi slt, %xor3A_92, %lt3A_721 : vector<16xi32>
        %add3A_723 = arith.constant 16 : i32
        %add3A_724 = vector.broadcast %add3A_723 : i32 to vector<16xi32>
        %add3A_725 = arith.addi %xor3A_92, %add3A_724 : vector<16xi32>
        %select_n3A_726 = arith.select %lt3A_722, %add3A_725, %xor3A_92 : vector<16xi1>, vector<16xi32>
        %broadcast_in_dim3A_727 = vector.shape_cast %select_n3A_726 : vector<16xi32> to vector<16x1xi32>
        %gather3A_728 = vector.shape_cast %broadcast_in_dim3A_727 : vector<16x1xi32> to vector<16xi32>
        %gather3A_729 = tpu.dynamic_gather %add3A_719[%gather3A_728] in [0] : vector<16xf32>, vector<16xi32> -> vector<16xf32>
        %add3A_730 = arith.addf %add3A_719, %gather3A_729 : vector<16xf32>
        %exp3A_731 = math.exp %add3A_730 : vector<16xf32>
        %mul3A_732 = arith.mulf %get3A_676, %exp3A_731 : vector<16xf32>
        %swap3A_733 = arith.index_cast %scan3A_195 : i32 to index
        %swap3A_734 = arith.constant 112 : index
        %swap3A_735 = tpu.vector_load %arg15[%swap3A_733, %swap3A_734] {strides = array<i32>} : memref<80x128xf32, #tpu.memory_space<vmem>>, vector<1x16xf32>,
        %swap3A_736 = vector.shape_cast %swap3A_735 : vector<1x16xf32> to vector<16xf32>
        %swap3A_737 = vector.shape_cast %mul3A_732 : vector<16xf32> to vector<1x16xf32>
        tpu.vector_store %arg15[%swap3A_733, %swap3A_734], %swap3A_737 {strides = array<i32>} : memref<80x128xf32, #tpu.memory_space<vmem>>, vector<1x16xf32>,
        %eq3A_738 = arith.constant 7 : i32
        %eq3A_739 = vector.broadcast %eq3A_738 : i32 to vector<16xi32>
        %eq3A_740 = arith.cmpi eq, %iota3A, %eq3A_739 : vector<16xi32>
        %select_n3A_741 = arith.select %eq3A_740, %exp3A_731, %select_n3A_672 : vector<16xi1>, vector<16xf32>
        %get3A_742 = arith.index_cast %scan3A_195 : i32 to index
        %get3A_743 = tpu.vector_load %arg11[%get3A_742] {strides = array<i32>} : memref<96xi32, #tpu.memory_space<vmem>>, vector<16xi32>,
        %get3A_744 = vector.shape_cast %get3A_743 : vector<16xi32> to vector<16xi32>
        %slice3A = vector.extract_strided_slice %get3A_744 {offsets = [0], sizes = [1], strides = [1]} : vector<16xi32> to vector<1xi32>
        %squeeze3A = vector.extract %slice3A[0] : i32 from vector<1xi32>
        %xor3A_745 = arith.constant 8 : i32
        %xor3A_746 = vector.broadcast %xor3A_745 : i32 to vector<16xi32>
        %xor3A_747 = arith.xori %iota3A, %xor3A_746 : vector<16xi32>
        %lt3A_748 = arith.constant 0 : i32
        %lt3A_749 = vector.broadcast %lt3A_748 : i32 to vector<16xi32>
        %lt3A_750 = arith.cmpi slt, %xor3A_747, %lt3A_749 : vector<16xi32>
        %add3A_751 = arith.constant 16 : i32
        %add3A_752 = vector.broadcast %add3A_751 : i32 to vector<16xi32>
        %add3A_753 = arith.addi %xor3A_747, %add3A_752 : vector<16xi32>
        %select_n3A_754 = arith.select %lt3A_750, %add3A_753, %xor3A_747 : vector<16xi1>, vector<16xi32>
        %broadcast_in_dim3A_755 = vector.shape_cast %select_n3A_754 : vector<16xi32> to vector<16x1xi32>
        %gather3A_756 = vector.shape_cast %broadcast_in_dim3A_755 : vector<16x1xi32> to vector<16xi32>
        %gather3A_757 = tpu.dynamic_gather %select_n3A_741[%gather3A_756] in [0] : vector<16xf32>, vector<16xi32> -> vector<16xf32>
        %and3A = arith.constant 1 : i32
        %and3A_758 = arith.andi %squeeze3A, %and3A : i32
        %eq3A_759 = arith.constant 1 : i32
        %eq3A_760 = arith.cmpi eq, %and3A_758, %eq3A_759 : i32
        %select_n3A_761 = arith.select %eq3A_760, %gather3A_757, %select_n3A_741 : vector<16xf32>
        %and3A_762 = arith.constant 14 : i32
        %and3A_763 = arith.andi %squeeze3A, %and3A_762 : i32
        %mul3A_764 = arith.constant 8 : i32
        %mul3A_765 = arith.muli %and3A_763, %mul3A_764 : i32
        %swap3A_766 = arith.index_cast %scan3A_195 : i32 to index
        %swap3A_767 = arith.index_cast %mul3A_765 : i32 to index
        %swap3A_768 = tpu.vector_load %arg16[%swap3A_766, %swap3A_767] {strides = array<i32>} : memref<80x128xf32, #tpu.memory_space<vmem>>, vector<1x16xf32>,
        %swap3A_769 = vector.shape_cast %swap3A_768 : vector<1x16xf32> to vector<16xf32>
        %swap3A_770 = vector.shape_cast %select_n3A_761 : vector<16xf32> to vector<1x16xf32>
        tpu.vector_store %arg16[%swap3A_766, %swap3A_767], %swap3A_770 {strides = array<i32>} : memref<80x128xf32, #tpu.memory_space<vmem>>, vector<1x16xf32>,
      }
      %scan3A_188 = arith.constant 80 : i32
      "tpu.region"() ({
        %run_scoped3A = tpu.sem_alloc : memref<!tpu.dma_semaphore, #tpu.memory_space<semaphore_mem>>
        %dma_start3A_195 = arith.constant 0 : i32
        %dma_start3A_196 = arith.constant 0 : i32
        %dma_start3A_197 = tpu.memref_slice %arg17[%dma_start3A_195, %dma_start3A_196] : memref<10880x128xf32, #tpu.memory_space<vmem_shared>> -> memref<10880x128xf32, #tpu.memory_space<vmem_shared>>
        tpu.enqueue_indirect_dma source(%arg15 : memref<80x128xf32, #tpu.memory_space<vmem>>) target(%dma_start3A_197 : memref<10880x128xf32, #tpu.memory_space<vmem_shared>>) offsets(%arg10 : memref<80xi32, #tpu.memory_space<vmem>>) semaphore(%run_scoped3A : memref<!tpu.dma_semaphore, #tpu.memory_space<semaphore_mem>>) {add = true}
        %dma_wait3A_198 = arith.constant 0 : i32
        %dma_wait3A_199 = arith.constant 0 : i32
        %dma_wait3A_200 = tpu.memref_slice %arg17[%dma_wait3A_198, %dma_wait3A_199] : memref<10880x128xf32, #tpu.memory_space<vmem_shared>> -> memref<10880x128xf32, #tpu.memory_space<vmem_shared>>
        tpu.wait_indirect_dma semaphore(%run_scoped3A : memref<!tpu.dma_semaphore, #tpu.memory_space<semaphore_mem>>) src(%arg15 : memref<80x128xf32, #tpu.memory_space<vmem>>) dst(%dma_wait3A_200 : memref<10880x128xf32, #tpu.memory_space<vmem_shared>>)
        tpu.yield
      }) : () -> ()
      "tpu.region"() ({
        %run_scoped3A = tpu.sem_alloc : memref<!tpu.dma_semaphore, #tpu.memory_space<semaphore_mem>>
        %dma_start3A_195 = arith.constant 0 : i32
        %dma_start3A_196 = arith.constant 0 : i32
        %dma_start3A_197 = tpu.memref_slice %arg17[%dma_start3A_195, %dma_start3A_196] : memref<10880x128xf32, #tpu.memory_space<vmem_shared>> -> memref<10880x128xf32, #tpu.memory_space<vmem_shared>>
        tpu.enqueue_indirect_dma source(%arg16 : memref<80x128xf32, #tpu.memory_space<vmem>>) target(%dma_start3A_197 : memref<10880x128xf32, #tpu.memory_space<vmem_shared>>) offsets(%arg12 : memref<80xi32, #tpu.memory_space<vmem>>) semaphore(%run_scoped3A : memref<!tpu.dma_semaphore, #tpu.memory_space<semaphore_mem>>) {add = true}
        %dma_wait3A_198 = arith.constant 0 : i32
        %dma_wait3A_199 = arith.constant 0 : i32
        %dma_wait3A_200 = tpu.memref_slice %arg17[%dma_wait3A_198, %dma_wait3A_199] : memref<10880x128xf32, #tpu.memory_space<vmem_shared>> -> memref<10880x128xf32, #tpu.memory_space<vmem_shared>>
        tpu.wait_indirect_dma semaphore(%run_scoped3A : memref<!tpu.dma_semaphore, #tpu.memory_space<semaphore_mem>>) src(%arg16 : memref<80x128xf32, #tpu.memory_space<vmem>>) dst(%dma_wait3A_200 : memref<10880x128xf32, #tpu.memory_space<vmem_shared>>)
        tpu.yield
      }) : () -> ()
      %scan3A_189 = arith.constant 0 : i32
      %scan3A_190 = arith.constant 0 : i32
      %scan3A_191 = arith.constant 80 : i32
      %scan3A_192 = arith.addi %scan3A_190, %scan3A_191 : i32
      %scan3A_193 = arith.constant 1 : i32
      scf.for %scan3A_195 = %scan3A_190 to %scan3A_192 step %scan3A_193  : i32 {
        %get3A_196 = arith.index_cast %scan3A_195 : i32 to index
        %get3A_197 = tpu.vector_load %arg11[%get3A_196] {strides = array<i32>} : memref<96xi32, #tpu.memory_space<vmem>>, vector<16xi32>,
        %get3A_198 = vector.shape_cast %get3A_197 : vector<16xi32> to vector<16xi32>
        %slice3A = vector.extract_strided_slice %get3A_198 {offsets = [0], sizes = [1], strides = [1]} : vector<16xi32> to vector<1xi32>
        %squeeze3A = vector.extract %slice3A[0] : i32 from vector<1xi32>
        %and3A = arith.constant 14 : i32
        %and3A_199 = arith.andi %squeeze3A, %and3A : i32
        %mul3A_200 = arith.constant 8 : i32
        %mul3A_201 = arith.muli %and3A_199, %mul3A_200 : i32
        %swap3A_202 = arith.index_cast %scan3A_195 : i32 to index
        %swap3A_203 = arith.index_cast %mul3A_201 : i32 to index
        %swap3A_204 = tpu.vector_load %arg16[%swap3A_202, %swap3A_203] {strides = array<i32>} : memref<80x128xf32, #tpu.memory_space<vmem>>, vector<1x16xf32>,
        %swap3A_205 = vector.shape_cast %swap3A_204 : vector<1x16xf32> to vector<16xf32>
        %swap3A_206 = vector.shape_cast %broadcast_in_dim3A_1 : vector<16xf32> to vector<1x16xf32>
        tpu.vector_store %arg16[%swap3A_202, %swap3A_203], %swap3A_206 {strides = array<i32>} : memref<80x128xf32, #tpu.memory_space<vmem>>, vector<1x16xf32>,
      }
      %scan3A_194 = arith.constant 80 : i32
    }
    %scan3A_98 = arith.constant 125 : i32
    %barrier3A_99 = arith.constant 0 : index
    tpu.barrier barrier_id(%barrier3A_99)
    %mul3A_100 = arith.constant 680 : i32
    %mul3A_101 = arith.muli %arg1, %mul3A_100 : i32
    %mul3A_102 = arith.constant 680 : i32
    %mul3A_103 = arith.muli %arg1, %mul3A_102 : i32
    "tpu.region"() ({
      %run_scoped3A = tpu.sem_alloc : memref<!tpu.dma_semaphore, #tpu.memory_space<semaphore_mem>>
      %dma_start3A = arith.constant 0 : i32
      %dma_start3A_104 = tpu.memref_slice %arg7[%arg0, %mul3A_103, %dma_start3A] : memref<2x10880x128xf32, #tpu.memory_space<hbm>> -> memref<1x680x128xf32, #tpu.memory_space<hbm>>
      %dma_start3A_105 = tpu.memref_squeeze %dma_start3A_104 : memref<1x680x128xf32, #tpu.memory_space<hbm>> -> memref<680x128xf32, #tpu.memory_space<hbm>>
      %dma_start3A_106 = arith.constant 0 : i32
      %dma_start3A_107 = tpu.memref_slice %arg17[%mul3A_101, %dma_start3A_106] : memref<10880x128xf32, #tpu.memory_space<vmem_shared>> -> memref<680x128xf32, #tpu.memory_space<vmem_shared>>
      tpu.enqueue_dma source(%dma_start3A_107 : memref<680x128xf32, #tpu.memory_space<vmem_shared>>) target(%dma_start3A_105 : memref<680x128xf32, #tpu.memory_space<hbm>>) target_semaphore(%run_scoped3A : memref<!tpu.dma_semaphore, #tpu.memory_space<semaphore_mem>>)
      %dma_wait3A = arith.constant 0 : i32
      %dma_wait3A_108 = tpu.memref_slice %arg7[%arg0, %mul3A_103, %dma_wait3A] : memref<2x10880x128xf32, #tpu.memory_space<hbm>> -> memref<1x680x128xf32, #tpu.memory_space<hbm>>
      %dma_wait3A_109 = tpu.memref_squeeze %dma_wait3A_108 : memref<1x680x128xf32, #tpu.memory_space<hbm>> -> memref<680x128xf32, #tpu.memory_space<hbm>>
      %dma_wait3A_110 = arith.constant 0 : i32
      %dma_wait3A_111 = tpu.memref_slice %arg17[%mul3A_101, %dma_wait3A_110] : memref<10880x128xf32, #tpu.memory_space<vmem_shared>> -> memref<680x128xf32, #tpu.memory_space<vmem_shared>>
      tpu.wait_dma2 semaphore(%run_scoped3A : memref<!tpu.dma_semaphore, #tpu.memory_space<semaphore_mem>>) src(%dma_wait3A_111 : memref<680x128xf32, #tpu.memory_space<vmem_shared>>) dst(%dma_wait3A_109 : memref<680x128xf32, #tpu.memory_space<hbm>>)
      tpu.yield
    }) : () -> ()
    return
  }
}

module attributes {stable_mosaic.version = 14 : i64} {
  func.func @_pre_body(%arg0: i32, %arg1: memref<2000x128xf32, #tpu.memory_space<vmem>>, %arg2: memref<1x128xf32, #tpu.memory_space<vmem>>, %arg3: memref<128x128xf32, #tpu.memory_space<vmem>>, %arg4: memref<1x128xf32, #tpu.memory_space<vmem>>, %arg5: memref<128x128xf32, #tpu.memory_space<vmem>>, %arg6: memref<1x128xf32, #tpu.memory_space<vmem>>, %arg7: memref<2000x128xf32, #tpu.memory_space<vmem>>, %arg8: memref<2000x128xf32, #tpu.memory_space<vmem>>) attributes {dimension_semantics = [#tpu.dimension_semantics<arbitrary>], iteration_bounds = array<i64: 5>, scalar_prefetch = 0 : i64, scratch_operands = 0 : i64, tpu.core_type = #tpu.core_type<tc>, window_params = [{transform_indices = @transform_0, window_bounds = array<i64: 2000, 128>}, {pipeline_mode = #tpu.pipeline_mode<synchronous>, transform_indices = @transform_1, window_bounds = array<i64: 1, 128>}, {pipeline_mode = #tpu.pipeline_mode<synchronous>, transform_indices = @transform_2, window_bounds = array<i64: 128, 128>}, {pipeline_mode = #tpu.pipeline_mode<synchronous>, transform_indices = @transform_3, window_bounds = array<i64: 1, 128>}, {pipeline_mode = #tpu.pipeline_mode<synchronous>, transform_indices = @transform_4, window_bounds = array<i64: 128, 128>}, {pipeline_mode = #tpu.pipeline_mode<synchronous>, transform_indices = @transform_5, window_bounds = array<i64: 1, 128>}, {transform_indices = @transform_6, window_bounds = array<i64: 2000, 128>}, {transform_indices = @transform_7, window_bounds = array<i64: 2000, 128>}]} {
    %get3A = arith.constant 0 : index
    %get3A_0 = arith.constant 0 : index
    %get3A_1 = vector.load %arg1[%get3A, %get3A_0] : memref<2000x128xf32, #tpu.memory_space<vmem>>, vector<2000x128xf32>
    %get3A_2 = arith.constant 0 : index
    %get3A_3 = arith.constant 0 : index
    %get3A_4 = vector.load %arg2[%get3A_2, %get3A_3] : memref<1x128xf32, #tpu.memory_space<vmem>>, vector<1x128xf32>
    %reduce_sum3A = arith.constant dense<0.000000e+00> : vector<2000xf32>
    %reduce_sum3A_5 = vector.multi_reduction <add>, %get3A_1, %reduce_sum3A [1] : vector<2000x128xf32> to vector<2000xf32>
    %broadcast_in_dim3A = vector.shape_cast %reduce_sum3A_5 : vector<2000xf32> to vector<2000x1xf32>
    %div3A = arith.constant 1.280000e+02 : f32
    %div3A_6 = vector.broadcast %div3A : f32 to vector<2000x1xf32>
    %div3A_7 = arith.divf %broadcast_in_dim3A, %div3A_6 : vector<2000x1xf32>
    %sub3A = vector.broadcast %div3A_7 : vector<2000x1xf32> to vector<2000x128xf32>
    %sub3A_8 = arith.subf %get3A_1, %sub3A : vector<2000x128xf32>
    %mul3A = arith.mulf %sub3A_8, %sub3A_8 : vector<2000x128xf32>
    %reduce_sum3A_9 = arith.constant dense<0.000000e+00> : vector<2000xf32>
    %reduce_sum3A_10 = vector.multi_reduction <add>, %mul3A, %reduce_sum3A_9 [1] : vector<2000x128xf32> to vector<2000xf32>
    %broadcast_in_dim3A_11 = vector.shape_cast %reduce_sum3A_10 : vector<2000xf32> to vector<2000x1xf32>
    %div3A_12 = arith.constant 1.280000e+02 : f32
    %div3A_13 = vector.broadcast %div3A_12 : f32 to vector<2000x1xf32>
    %div3A_14 = arith.divf %broadcast_in_dim3A_11, %div3A_13 : vector<2000x1xf32>
    %add3A = arith.constant 9.99999974E-6 : f32
    %add3A_15 = vector.broadcast %add3A : f32 to vector<2000x1xf32>
    %add3A_16 = arith.addf %div3A_14, %add3A_15 : vector<2000x1xf32>
    %rsqrt3A = math.rsqrt %add3A_16 : vector<2000x1xf32>
    %mul3A_17 = vector.broadcast %rsqrt3A : vector<2000x1xf32> to vector<2000x128xf32>
    %mul3A_18 = arith.mulf %sub3A_8, %mul3A_17 : vector<2000x128xf32>
    %mul3A_19 = vector.broadcast %get3A_4 : vector<1x128xf32> to vector<2000x128xf32>
    %mul3A_20 = arith.mulf %mul3A_18, %mul3A_19 : vector<2000x128xf32>
    %get3A_21 = arith.constant 0 : index
    %get3A_22 = arith.constant 0 : index
    %get3A_23 = vector.load %arg3[%get3A_21, %get3A_22] : memref<128x128xf32, #tpu.memory_space<vmem>>, vector<128x128xf32>
    %dot_general3A = arith.constant dense<0.000000e+00> : vector<2000x128xf32>
    %dot_general3A_24 = tpu.matmul %mul3A_20, %get3A_23, %dot_general3A {dimension_numbers = #tpu.dot_dimension_numbers<[1], [0], [0], [1], [0, 0, 1, 1], [], []>, transpose_lhs_hint = false} : vector<2000x128xf32>, vector<128x128xf32>, vector<2000x128xf32> -> vector<2000x128xf32>
    %get3A_25 = arith.constant 0 : index
    %get3A_26 = arith.constant 0 : index
    %get3A_27 = vector.load %arg4[%get3A_25, %get3A_26] : memref<1x128xf32, #tpu.memory_space<vmem>>, vector<1x128xf32>
    %add3A_28 = vector.broadcast %get3A_27 : vector<1x128xf32> to vector<2000x128xf32>
    %add3A_29 = arith.addf %dot_general3A_24, %add3A_28 : vector<2000x128xf32>
    %swap3A = arith.constant 0 : index
    %swap3A_30 = arith.constant 0 : index
    %swap3A_31 = vector.load %arg7[%swap3A, %swap3A_30] : memref<2000x128xf32, #tpu.memory_space<vmem>>, vector<2000x128xf32>
    tpu.vector_store %arg7[%swap3A, %swap3A_30], %add3A_29 {strides = array<i32>} : memref<2000x128xf32, #tpu.memory_space<vmem>>, vector<2000x128xf32>,
    %get3A_32 = arith.constant 0 : index
    %get3A_33 = arith.constant 0 : index
    %get3A_34 = vector.load %arg5[%get3A_32, %get3A_33] : memref<128x128xf32, #tpu.memory_space<vmem>>, vector<128x128xf32>
    %dot_general3A_35 = arith.constant dense<0.000000e+00> : vector<2000x128xf32>
    %dot_general3A_36 = tpu.matmul %mul3A_20, %get3A_34, %dot_general3A_35 {dimension_numbers = #tpu.dot_dimension_numbers<[1], [0], [0], [1], [0, 0, 1, 1], [], []>, transpose_lhs_hint = false} : vector<2000x128xf32>, vector<128x128xf32>, vector<2000x128xf32> -> vector<2000x128xf32>
    %get3A_37 = arith.constant 0 : index
    %get3A_38 = arith.constant 0 : index
    %get3A_39 = vector.load %arg6[%get3A_37, %get3A_38] : memref<1x128xf32, #tpu.memory_space<vmem>>, vector<1x128xf32>
    %add3A_40 = vector.broadcast %get3A_39 : vector<1x128xf32> to vector<2000x128xf32>
    %add3A_41 = arith.addf %dot_general3A_36, %add3A_40 : vector<2000x128xf32>
    %swap3A_42 = arith.constant 0 : index
    %swap3A_43 = arith.constant 0 : index
    %swap3A_44 = vector.load %arg8[%swap3A_42, %swap3A_43] : memref<2000x128xf32, #tpu.memory_space<vmem>>, vector<2000x128xf32>
    tpu.vector_store %arg8[%swap3A_42, %swap3A_43], %add3A_41 {strides = array<i32>} : memref<2000x128xf32, #tpu.memory_space<vmem>>, vector<2000x128xf32>,
    return
  }
  func.func @transform_0(%arg0: i32) -> (i32, i32) {
    %c0_i32 = arith.constant 0 : i32
    %c0_i32_0 = arith.constant 0 : i32
    return %arg0, %c0_i32 : i32, i32
  }
  func.func @transform_1(%arg0: i32) -> (i32, i32) {
    %c0_i32 = arith.constant 0 : i32
    %c0_i32_0 = arith.constant 0 : i32
    %c0_i32_1 = arith.constant 0 : i32
    return %c0_i32, %c0_i32_0 : i32, i32
  }
  func.func @transform_2(%arg0: i32) -> (i32, i32) {
    %c0_i32 = arith.constant 0 : i32
    %c0_i32_0 = arith.constant 0 : i32
    %c0_i32_1 = arith.constant 0 : i32
    return %c0_i32, %c0_i32_0 : i32, i32
  }
  func.func @transform_3(%arg0: i32) -> (i32, i32) {
    %c0_i32 = arith.constant 0 : i32
    %c0_i32_0 = arith.constant 0 : i32
    %c0_i32_1 = arith.constant 0 : i32
    return %c0_i32, %c0_i32_0 : i32, i32
  }
  func.func @transform_4(%arg0: i32) -> (i32, i32) {
    %c0_i32 = arith.constant 0 : i32
    %c0_i32_0 = arith.constant 0 : i32
    %c0_i32_1 = arith.constant 0 : i32
    return %c0_i32, %c0_i32_0 : i32, i32
  }
  func.func @transform_5(%arg0: i32) -> (i32, i32) {
    %c0_i32 = arith.constant 0 : i32
    %c0_i32_0 = arith.constant 0 : i32
    %c0_i32_1 = arith.constant 0 : i32
    return %c0_i32, %c0_i32_0 : i32, i32
  }
  func.func @transform_6(%arg0: i32) -> (i32, i32) {
    %c0_i32 = arith.constant 0 : i32
    %c0_i32_0 = arith.constant 0 : i32
    return %arg0, %c0_i32 : i32, i32
  }
  func.func @transform_7(%arg0: i32) -> (i32, i32) {
    %c0_i32 = arith.constant 0 : i32
    %c0_i32_0 = arith.constant 0 : i32
    return %arg0, %c0_i32 : i32, i32
  }
}

module attributes {stable_mosaic.version = 14 : i64} {
  func.func @_post_body(%arg0: i32, %arg1: memref<2000x128xf32, #tpu.memory_space<vmem>>, %arg2: memref<2000x128xf32, #tpu.memory_space<vmem>>, %arg3: memref<2000x128xf32, #tpu.memory_space<vmem>>, %arg4: memref<2000x8xf32, #tpu.memory_space<vmem>>, %arg5: memref<2000x8xf32, #tpu.memory_space<vmem>>, %arg6: memref<1x128xf32, #tpu.memory_space<vmem>>, %arg7: memref<1x128xf32, #tpu.memory_space<vmem>>, %arg8: memref<128x512xf32, #tpu.memory_space<vmem>>, %arg9: memref<512x128xf32, #tpu.memory_space<vmem>>, %arg10: memref<2000x128xf32, #tpu.memory_space<vmem>>) attributes {dimension_semantics = [#tpu.dimension_semantics<arbitrary>], iteration_bounds = array<i64: 5>, scalar_prefetch = 0 : i64, scratch_operands = 0 : i64, tpu.core_type = #tpu.core_type<tc>, window_params = [{transform_indices = @transform_0, window_bounds = array<i64: 2000, 128>}, {transform_indices = @transform_1, window_bounds = array<i64: 2000, 128>}, {transform_indices = @transform_2, window_bounds = array<i64: 2000, 128>}, {transform_indices = @transform_3, window_bounds = array<i64: 2000, 8>}, {transform_indices = @transform_4, window_bounds = array<i64: 2000, 8>}, {pipeline_mode = #tpu.pipeline_mode<synchronous>, transform_indices = @transform_5, window_bounds = array<i64: 1, 128>}, {pipeline_mode = #tpu.pipeline_mode<synchronous>, transform_indices = @transform_6, window_bounds = array<i64: 1, 128>}, {pipeline_mode = #tpu.pipeline_mode<synchronous>, transform_indices = @transform_7, window_bounds = array<i64: 128, 512>}, {pipeline_mode = #tpu.pipeline_mode<synchronous>, transform_indices = @transform_8, window_bounds = array<i64: 512, 128>}, {transform_indices = @transform_9, window_bounds = array<i64: 2000, 128>}]} {
    %get3A = arith.constant 0 : index
    %get3A_0 = arith.constant 0 : index
    %get3A_1 = vector.load %arg2[%get3A, %get3A_0] : memref<2000x128xf32, #tpu.memory_space<vmem>>, vector<2000x128xf32>
    %get3A_2 = arith.constant 0 : index
    %get3A_3 = arith.constant 0 : index
    %get3A_4 = vector.load %arg3[%get3A_2, %get3A_3] : memref<2000x128xf32, #tpu.memory_space<vmem>>, vector<2000x128xf32>
    %add3A = arith.addf %get3A_1, %get3A_4 : vector<2000x128xf32>
    %get3A_5 = arith.constant 0 : index
    %get3A_6 = arith.constant 0 : index
    %get3A_7 = vector.load %arg4[%get3A_5, %get3A_6] : memref<2000x8xf32, #tpu.memory_space<vmem>>, vector<2000x8xf32>
    %get3A_8 = arith.constant 0 : index
    %get3A_9 = arith.constant 0 : index
    %get3A_10 = vector.load %arg5[%get3A_8, %get3A_9] : memref<2000x8xf32, #tpu.memory_space<vmem>>, vector<2000x8xf32>
    %add3A_11 = arith.addf %get3A_7, %get3A_10 : vector<2000x8xf32>
    %iota3A = tpu.iota {dimensions = array<i32: 1>} : vector<8x128xi32>
    %jit3A = arith.constant 16 : i32
    %div3A = vector.broadcast %jit3A : i32 to vector<8x128xi32>
    %div3A_12 = arith.divsi %iota3A, %div3A : vector<8x128xi32>
    %sign3A = arith.constant 0 : i32
    %sign3A_13 = vector.broadcast %sign3A : i32 to vector<8x128xi32>
    %sign3A_14 = arith.cmpi sgt, %iota3A, %sign3A_13 : vector<8x128xi32>
    %sign3A_15 = arith.extui %sign3A_14 : vector<8x128xi1> to vector<8x128xi32>
    %sign3A_16 = arith.constant 0 : i32
    %sign3A_17 = vector.broadcast %sign3A_16 : i32 to vector<8x128xi32>
    %sign3A_18 = arith.cmpi slt, %iota3A, %sign3A_17 : vector<8x128xi32>
    %sign3A_19 = arith.extui %sign3A_18 : vector<8x128xi1> to vector<8x128xi32>
    %sign3A_20 = arith.subi %sign3A_15, %sign3A_19 : vector<8x128xi32>
    %sign3A_21 = arith.constant 0 : i32
    %sign3A_22 = arith.cmpi sgt, %jit3A, %sign3A_21 : i32
    %sign3A_23 = arith.extui %sign3A_22 : i1 to i32
    %sign3A_24 = arith.constant 0 : i32
    %sign3A_25 = arith.cmpi slt, %jit3A, %sign3A_24 : i32
    %sign3A_26 = arith.extui %sign3A_25 : i1 to i32
    %sign3A_27 = arith.subi %sign3A_23, %sign3A_26 : i32
    %ne3A = vector.broadcast %sign3A_27 : i32 to vector<8x128xi32>
    %ne3A_28 = arith.cmpi ne, %sign3A_20, %ne3A : vector<8x128xi32>
    %rem3A = vector.broadcast %jit3A : i32 to vector<8x128xi32>
    %rem3A_29 = arith.remsi %iota3A, %rem3A : vector<8x128xi32>
    %ne3A_30 = arith.constant 0 : i32
    %ne3A_31 = vector.broadcast %ne3A_30 : i32 to vector<8x128xi32>
    %ne3A_32 = arith.cmpi ne, %rem3A_29, %ne3A_31 : vector<8x128xi32>
    %and3A = arith.andi %ne3A_28, %ne3A_32 : vector<8x128xi1>
    %sub3A = arith.constant 1 : i32
    %sub3A_33 = vector.broadcast %sub3A : i32 to vector<8x128xi32>
    %sub3A_34 = arith.subi %div3A_12, %sub3A_33 : vector<8x128xi32>
    %select_n3A = arith.select %and3A, %sub3A_34, %div3A_12 : vector<8x128xi1>, vector<8x128xi32>
    %iota3A_35 = tpu.iota {dimensions = array<i32: 0>} : vector<8x128xi32>
    %eq3A = arith.cmpi eq, %iota3A_35, %select_n3A : vector<8x128xi32>
    %convert_element_type3A = arith.extui %eq3A : vector<8x128xi1> to vector<8x128xi32>
    %convert_element_type3A_36 = arith.sitofp %convert_element_type3A : vector<8x128xi32> to vector<8x128xf32>
    %dot_general3A = arith.constant dense<0.000000e+00> : vector<2000x128xf32>
    %dot_general3A_37 = tpu.matmul %add3A_11, %convert_element_type3A_36, %dot_general3A {dimension_numbers = #tpu.dot_dimension_numbers<[1], [0], [0], [1], [0, 0, 1, 1], [], []>, transpose_lhs_hint = false} : vector<2000x8xf32>, vector<8x128xf32>, vector<2000x128xf32> -> vector<2000x128xf32>
    %add3A_38 = arith.constant 1.000000e-16 : f32
    %add3A_39 = vector.broadcast %add3A_38 : f32 to vector<2000x128xf32>
    %add3A_40 = arith.addf %dot_general3A_37, %add3A_39 : vector<2000x128xf32>
    %div3A_41 = arith.divf %add3A, %add3A_40 : vector<2000x128xf32>
    %get3A_42 = arith.constant 0 : index
    %get3A_43 = arith.constant 0 : index
    %get3A_44 = vector.load %arg6[%get3A_42, %get3A_43] : memref<1x128xf32, #tpu.memory_space<vmem>>, vector<1x128xf32>
    %add3A_45 = vector.broadcast %get3A_44 : vector<1x128xf32> to vector<2000x128xf32>
    %add3A_46 = arith.addf %div3A_41, %add3A_45 : vector<2000x128xf32>
    %get3A_47 = arith.constant 0 : index
    %get3A_48 = arith.constant 0 : index
    %get3A_49 = vector.load %arg1[%get3A_47, %get3A_48] : memref<2000x128xf32, #tpu.memory_space<vmem>>, vector<2000x128xf32>
    %add3A_50 = arith.addf %get3A_49, %add3A_46 : vector<2000x128xf32>
    %get3A_51 = arith.constant 0 : index
    %get3A_52 = arith.constant 0 : index
    %get3A_53 = vector.load %arg7[%get3A_51, %get3A_52] : memref<1x128xf32, #tpu.memory_space<vmem>>, vector<1x128xf32>
    %reduce_sum3A = arith.constant dense<0.000000e+00> : vector<2000xf32>
    %reduce_sum3A_54 = vector.multi_reduction <add>, %add3A_50, %reduce_sum3A [1] : vector<2000x128xf32> to vector<2000xf32>
    %broadcast_in_dim3A = vector.shape_cast %reduce_sum3A_54 : vector<2000xf32> to vector<2000x1xf32>
    %div3A_55 = arith.constant 1.280000e+02 : f32
    %div3A_56 = vector.broadcast %div3A_55 : f32 to vector<2000x1xf32>
    %div3A_57 = arith.divf %broadcast_in_dim3A, %div3A_56 : vector<2000x1xf32>
    %sub3A_58 = vector.broadcast %div3A_57 : vector<2000x1xf32> to vector<2000x128xf32>
    %sub3A_59 = arith.subf %add3A_50, %sub3A_58 : vector<2000x128xf32>
    %mul3A = arith.mulf %sub3A_59, %sub3A_59 : vector<2000x128xf32>
    %reduce_sum3A_60 = arith.constant dense<0.000000e+00> : vector<2000xf32>
    %reduce_sum3A_61 = vector.multi_reduction <add>, %mul3A, %reduce_sum3A_60 [1] : vector<2000x128xf32> to vector<2000xf32>
    %broadcast_in_dim3A_62 = vector.shape_cast %reduce_sum3A_61 : vector<2000xf32> to vector<2000x1xf32>
    %div3A_63 = arith.constant 1.280000e+02 : f32
    %div3A_64 = vector.broadcast %div3A_63 : f32 to vector<2000x1xf32>
    %div3A_65 = arith.divf %broadcast_in_dim3A_62, %div3A_64 : vector<2000x1xf32>
    %add3A_66 = arith.constant 9.99999974E-6 : f32
    %add3A_67 = vector.broadcast %add3A_66 : f32 to vector<2000x1xf32>
    %add3A_68 = arith.addf %div3A_65, %add3A_67 : vector<2000x1xf32>
    %rsqrt3A = math.rsqrt %add3A_68 : vector<2000x1xf32>
    %mul3A_69 = vector.broadcast %rsqrt3A : vector<2000x1xf32> to vector<2000x128xf32>
    %mul3A_70 = arith.mulf %sub3A_59, %mul3A_69 : vector<2000x128xf32>
    %mul3A_71 = vector.broadcast %get3A_53 : vector<1x128xf32> to vector<2000x128xf32>
    %mul3A_72 = arith.mulf %mul3A_70, %mul3A_71 : vector<2000x128xf32>
    %get3A_73 = arith.constant 0 : index
    %get3A_74 = arith.constant 0 : index
    %get3A_75 = vector.load %arg8[%get3A_73, %get3A_74] : memref<128x512xf32, #tpu.memory_space<vmem>>, vector<128x512xf32>
    %dot_general3A_76 = arith.constant dense<0.000000e+00> : vector<2000x512xf32>
    %dot_general3A_77 = tpu.matmul %mul3A_72, %get3A_75, %dot_general3A_76 {dimension_numbers = #tpu.dot_dimension_numbers<[1], [0], [0], [1], [0, 0, 1, 1], [], []>, transpose_lhs_hint = false} : vector<2000x128xf32>, vector<128x512xf32>, vector<2000x512xf32> -> vector<2000x512xf32>
    %mul3A_78 = arith.constant 5.000000e-01 : f32
    %mul3A_79 = vector.broadcast %mul3A_78 : f32 to vector<2000x512xf32>
    %mul3A_80 = arith.mulf %mul3A_79, %dot_general3A_77 : vector<2000x512xf32>
    %mul3A_81 = arith.constant 0.707106769 : f32
    %mul3A_82 = vector.broadcast %mul3A_81 : f32 to vector<2000x512xf32>
    %mul3A_83 = arith.mulf %dot_general3A_77, %mul3A_82 : vector<2000x512xf32>
    %erf3A = math.erf %mul3A_83 : vector<2000x512xf32>
    %add3A_84 = arith.constant 1.000000e+00 : f32
    %add3A_85 = vector.broadcast %add3A_84 : f32 to vector<2000x512xf32>
    %add3A_86 = arith.addf %add3A_85, %erf3A : vector<2000x512xf32>
    %mul3A_87 = arith.mulf %mul3A_80, %add3A_86 : vector<2000x512xf32>
    %get3A_88 = arith.constant 0 : index
    %get3A_89 = arith.constant 0 : index
    %get3A_90 = vector.load %arg9[%get3A_88, %get3A_89] : memref<512x128xf32, #tpu.memory_space<vmem>>, vector<512x128xf32>
    %dot_general3A_91 = arith.constant dense<0.000000e+00> : vector<2000x128xf32>
    %dot_general3A_92 = tpu.matmul %mul3A_87, %get3A_90, %dot_general3A_91 {dimension_numbers = #tpu.dot_dimension_numbers<[1], [0], [0], [1], [0, 0, 1, 1], [], []>, transpose_lhs_hint = false} : vector<2000x512xf32>, vector<512x128xf32>, vector<2000x128xf32> -> vector<2000x128xf32>
    %add3A_93 = arith.addf %add3A_50, %dot_general3A_92 : vector<2000x128xf32>
    %swap3A = arith.constant 0 : index
    %swap3A_94 = arith.constant 0 : index
    %swap3A_95 = vector.load %arg10[%swap3A, %swap3A_94] : memref<2000x128xf32, #tpu.memory_space<vmem>>, vector<2000x128xf32>
    tpu.vector_store %arg10[%swap3A, %swap3A_94], %add3A_93 {strides = array<i32>} : memref<2000x128xf32, #tpu.memory_space<vmem>>, vector<2000x128xf32>,
    return
  }
  func.func @transform_0(%arg0: i32) -> (i32, i32) {
    %c0_i32 = arith.constant 0 : i32
    %c0_i32_0 = arith.constant 0 : i32
    return %arg0, %c0_i32 : i32, i32
  }
  func.func @transform_1(%arg0: i32) -> (i32, i32) {
    %c0_i32 = arith.constant 0 : i32
    %c0_i32_0 = arith.constant 0 : i32
    return %arg0, %c0_i32 : i32, i32
  }
  func.func @transform_2(%arg0: i32) -> (i32, i32) {
    %c0_i32 = arith.constant 0 : i32
    %c0_i32_0 = arith.constant 0 : i32
    return %arg0, %c0_i32 : i32, i32
  }
  func.func @transform_3(%arg0: i32) -> (i32, i32) {
    %c0_i32 = arith.constant 0 : i32
    %c0_i32_0 = arith.constant 0 : i32
    return %arg0, %c0_i32 : i32, i32
  }
  func.func @transform_4(%arg0: i32) -> (i32, i32) {
    %c0_i32 = arith.constant 0 : i32
    %c0_i32_0 = arith.constant 0 : i32
    return %arg0, %c0_i32 : i32, i32
  }
  func.func @transform_5(%arg0: i32) -> (i32, i32) {
    %c0_i32 = arith.constant 0 : i32
    %c0_i32_0 = arith.constant 0 : i32
    %c0_i32_1 = arith.constant 0 : i32
    return %c0_i32, %c0_i32_0 : i32, i32
  }
  func.func @transform_6(%arg0: i32) -> (i32, i32) {
    %c0_i32 = arith.constant 0 : i32
    %c0_i32_0 = arith.constant 0 : i32
    %c0_i32_1 = arith.constant 0 : i32
    return %c0_i32, %c0_i32_0 : i32, i32
  }
  func.func @transform_7(%arg0: i32) -> (i32, i32) {
    %c0_i32 = arith.constant 0 : i32
    %c0_i32_0 = arith.constant 0 : i32
    %c0_i32_1 = arith.constant 0 : i32
    return %c0_i32, %c0_i32_0 : i32, i32
  }
  func.func @transform_8(%arg0: i32) -> (i32, i32) {
    %c0_i32 = arith.constant 0 : i32
    %c0_i32_0 = arith.constant 0 : i32
    %c0_i32_1 = arith.constant 0 : i32
    return %c0_i32, %c0_i32_0 : i32, i32
  }
  func.func @transform_9(%arg0: i32) -> (i32, i32) {
    %c0_i32 = arith.constant 0 : i32
    %c0_i32_0 = arith.constant 0 : i32
    return %arg0, %c0_i32 : i32, i32
  }
}

</mosaic_0001>

<sc_bundles>
// kernel: kernel.5.cloned.1.call-start
scs
__scs_entry_jumppad:
0x0: {  	(pc) =	sbr.rel $0x88, $3  }
0x1: {  	(tag) =	ssettag $0x0;
	lr =	simm.s32 $0x1  }
0x2: {  	[smem:$0x3F95] =	sst lr;
	_ =	strace $0xD0000000  }
0x3: {  	_ = 	snop  }
0x4: {  	_ = 	snop  }
0x5: {  	_ = 	snop  }
0x6: {  	_ = 	snop  }
0x7: {  	_ = 	snop  }
__scs_overlays_trampoline_lowered:
0x8: {  	[smem:$0x3FA4] =	sst s0  }
0x9: {  	[smem:$0x3FA5] =	sst s1  }
0xa: {  	[smem:$0x3FA6] =	sst s2  }
0xb: {  	[smem:$0x3FA7] =	sst s3  }
0xc: {  	[smem:$0x3FA8] =	sst s4  }
0xd: {  	[smem:$0x3FA9] =	sst s5  }
0xe: {  	[smem:$0x3FAA] =	sst s6  }
0xf: {  	[smem:$0x3FAB] =	sst s7  }
0x10: {  	[smem:$0x3FAC] =	sst s8  }
0x11: {  	[smem:$0x3FAD] =	sst s9;
	s0 =	simm.s32 @!p0 $0x0  }
0x12: {  	s1 =	sld [smem:$0x3F93];
	s0 =	simm.s32 @p0 $0x1  }
0x13: {  	[smem:$0x3FAE] =	sst s0;
	s0 =	simm.s32 @!p1 $0x0  }
0x14: {  	s2 =	sld [smem:$0x3F92];
	s0 =	simm.s32 @p1 $0x1  }
0x15: {  	[smem:$0x3FAF] =	sst s0;
	s0 =	simm.s32 @!p2 $0x0  }
0x16: {  	s3 =	sld [smem:$0x3FDB];
	s0 =	simm.s32 @p2 $0x1  }
0x17: {  	s4 =	simm.s32 $0x1BF5;
	[smem:$0x3FB1] =	sst s0  }
0x18: {  	s0 =	sld [smem:$0x3F94];
	_ =	swait.ge [sflag:s4], $0x0  }
0x19: {  	s7 =	sld [smem:$0x3F95]  }
0x1a: {  	s8 =	sadd.s32 $0xFFFFE003, lr  }
0x1b: {  	s9 =	sadd.s32 $0xFFFFFEF7, lr;
	s5 =	simm.s32 $0xFFFFFFFF;
	p2 =	slt.u32 s8, $0xFFFFF086  }
0x1c: {  	p1 =	slt.u32 s9, $0xF7A;
	s5 =	simm.s32 @!p2 $0x0  }
0x1d: {  	s5 =	simm.s32 @p1 $0x1;
	p0 =	seq.s32 s7, s2  }
0x1e: {  	s7 =	smul.u32 @!p0 $0xF7A, s2;
	p2 =	seq.s32 @!p0 s5, $0x0  }
0x1f: {  	s9 =	smul.u32 $0xF7A, s1;
	s8 =	simm.s32 @!p0 $0x1BF5;
	p2 =	por !p2, p0  }
0x20: {  	[sflag:s8] =	ssyncset.s32 @!p0 $0xFFFFF086;
	s6 =	sadd.s32 @!p0 s3, s7;
	s7 =	simm.s32 @!p0 $0x108  }
0x21: {  	s3 =	sadd.s32 s3, s9;
	s6 =	sadd.s32 @!p0 $0x88, s6;
	s7 =	simm.s32 @p2 $0x1082  }
0x22: {  	[simem:s7], [sflag:s8] =	dma.local @!p0 [hbm:s6], $0xF7A  }
0x23: {  	s9 =	sor.u32 $0xD0000000, s2;
	s6 =	simm.s32 $0x108;
	_ =	swait.ge @!p0 [sflag:s8], $0x0  }
0x24: {  	s3 =	sadd.s32 $0x88, s3;
	s6 =	simm.s32 @!p1 $0x1082;
	[sflag:s4] =	ssyncset.s32 $0xFFFFF086  }
0x25: {  	[simem:s6], [sflag:s4] =	dma.local [hbm:s3], $0xF7A  }
0x26: {  	[smem:$0x3F95] =	sst s1;
	(tag) =	ssettag s2;
	_ =	strace s9  }
0x27: {  	s1 =	sld [smem:$0x3FA5]  }
0x28: {  	s2 =	sld [smem:$0x3FA6]  }
0x29: {  	s4 =	sld [smem:$0x3FA8]  }
0x2a: {  	p0 =	seq.s32 s5, $0x0;
	s5 =	sld [smem:$0x3FA9]  }
0x2b: {  	s6 =	sld [smem:$0x3FAA]  }
0x2c: {  	s7 =	sld [smem:$0x3FAB]  }
0x2d: {  	s3 =	simm.s32 $0x108;
	s8 =	sld [smem:$0x3FAC]  }
0x2e: {  	s3 =	simm.s32 @!p0 $0x1082;
	s9 =	sld [smem:$0x3FAD]  }
0x2f: {  	lr =	sadd.s32 s0, s3;
	s0 =	sld [smem:$0x3FA4]  }
0x30: {  	s3 =	sld [smem:$0x3FA7]  }
0x31: {  	[smem:$0x3FB0] =	sst s10  }
0x32: {  	s10 =	sld [smem:$0x3FAE];
	_ =	sdelay $0x3  }
0x33: {  	p0 =	seq.s32 s10, $0x1;
	s10 =	sld [smem:$0x3FB0];
	_ =	sdelay $0x3  }
0x34: {  	[smem:$0x3FB0] =	sst s10  }
0x35: {  	s10 =	sld [smem:$0x3FAF];
	_ =	sdelay $0x3  }
0x36: {  	p1 =	seq.s32 s10, $0x1;
	s10 =	sld [smem:$0x3FB0];
	_ =	sdelay $0x3  }
0x37: {  	[smem:$0x3FB0] =	sst s10  }
0x38: {  	s10 =	sld [smem:$0x3FB1]  }
0x39: {  	_ = 	snop;
	(pc) =	sbr.ind lr, $3  }
0x3a: {  	_ = 	snop  }
0x3b: {  	_ = 	snop  }
0x3c: {  	p2 =	seq.s32 s10, $0x1;
	s10 =	sld [smem:$0x3FB0]  }
0x3d: {  	_ =	shalt  }
0x3e: {  	_ =	shalt  }
0x3f: {  	_ =	shalt  }
0x40: {  	_ =	shalt  }
0x41: {  	_ =	shalt  }
0x42: {  	_ =	shalt  }
0x43: {  	_ =	shalt  }
0x44: {  	_ =	shalt  }
0x45: {  	_ =	shalt  }
0x46: {  	_ =	shalt  }
0x47: {  	_ =	shalt  }
0x48: {  	_ =	shalt  }
0x49: {  	_ =	shalt  }
0x4a: {  	_ =	shalt  }
0x4b: {  	_ =	shalt  }
0x4c: {  	_ =	shalt  }
0x4d: {  	_ =	shalt  }
0x4e: {  	_ =	shalt  }
0x4f: {  	_ =	shalt  }
0x50: {  	_ =	shalt  }
0x51: {  	_ =	shalt  }
0x52: {  	_ =	shalt  }
0x53: {  	_ =	shalt  }
0x54: {  	_ =	shalt  }
0x55: {  	_ =	shalt  }
0x56: {  	_ =	shalt  }
0x57: {  	_ =	shalt  }
0x58: {  	_ =	shalt  }
0x59: {  	_ =	shalt  }
0x5a: {  	_ =	shalt  }
0x5b: {  	_ =	shalt  }
0x5c: {  	_ =	shalt  }
0x5d: {  	_ =	shalt  }
0x5e: {  	_ =	shalt  }
0x5f: {  	_ =	shalt  }
0x60: {  	_ =	shalt  }
0x61: {  	_ =	shalt  }
0x62: {  	_ =	shalt  }
0x63: {  	_ =	shalt  }
0x64: {  	_ =	shalt  }
0x65: {  	_ =	shalt  }
0x66: {  	_ =	shalt  }
0x67: {  	_ =	shalt  }
0x68: {  	_ =	shalt  }
0x69: {  	_ =	shalt  }
0x6a: {  	_ =	shalt  }
0x6b: {  	_ =	shalt  }
0x6c: {  	_ =	shalt  }
0x6d: {  	_ =	shalt  }
0x6e: {  	_ =	shalt  }
0x6f: {  	_ =	shalt  }
0x70: {  	_ =	shalt  }
0x71: {  	_ =	shalt  }
0x72: {  	_ =	shalt  }
0x73: {  	_ =	shalt  }
0x74: {  	_ =	shalt  }
0x75: {  	_ =	shalt  }
0x76: {  	_ =	shalt  }
0x77: {  	_ =	shalt  }
0x78: {  	_ =	shalt  }
0x79: {  	_ =	shalt  }
0x7a: {  	_ =	shalt  }
0x7b: {  	_ =	shalt  }
0x7c: {  	_ =	shalt  }
0x7d: {  	_ =	shalt  }
0x7e: {  	_ =	shalt  }
0x7f: {  	_ =	shalt  }
0x80: {  	_ =	shalt  }
0x81: {  	_ =	shalt  }
0x82: {  	_ =	shalt  }
0x83: {  	_ =	shalt  }
0x84: {  	_ =	shalt  }
0x85: {  	_ =	shalt  }
0x86: {  	_ =	shalt  }
0x87: {  	_ =	shalt  }
.Lfunc_end0:
.L_simem_size_0:
called_computation_lowered:
.L_overlay_start_0:
0x88: {  	s2 =	sld [smem:$0x3FD9]  }
0x89: {  	s3 =	sld [smem:$0x3FFE];
	_ =	sdelay $0x1  }
0x8a: {  	s1 =	srdreg.scid  }
0x8b: {  	s0 =	sand.u32 $0x1, s1  }
0x8c: {  	s17 =	sshll.u32 s0, $0xA;
	s2 =	sadd.s32 s3, s2  }
0x8d: {  	s2 =	sadd.s32 s2, s17  }
0x8e: {  	[smem:$0x3FBC] =	sst s2  }
0x8f: {  	_ = 	snop  }
0x90: {  	s2 =	sld [smem:$0x3FC2]  }
0x91: {  	s18 =	sld [smem:$0x3FD0];
	(tm) =	ssettm $0x1  }
0x92: {  	s4 =	sld [smem:$0x3FFB];
	_ =	sdelay $0x3  }
0x93: {  	_ =	strace s4  }
0x94: {  	s4 =	sld [smem:$0x3FFC];
	_ =	sdelay $0x3  }
0x95: {  	_ =	strace s4  }
0x96: {  	s4 =	sld [smem:$0x3FFD];
	_ =	sdelay $0x3  }
0x97: {  	_ =	strace s4  }
0x98: {  	_ =	strace $0x8FFFFFFF  }
0x99: {  	s19 =	sld [smem:$0x3FDB];
	_ =	sdelay $0x1  }
0x9a: {  	s5 =	simm.s32 $_scs_section_size  }
0x9b: {  	s6 =	simm.s32 $_size__tile_overlayer_lowered;
	s7 =	simm.s32 $_tile_overlayer_lowered  }
0x9c: {  	s22 =	simm.s32 $0x1BFF;
	s21 =	sshll.u32 s7, $0x1;
	s4 =	sadd.s32 s5, s19  }
0x9d: {  	s8 =	simm.s32 $0x0;
	s20 =	sshll.u32 s6, $0x1;
	s6 =	sadd.s32 s21, s4  }
0x9e: {  	[timem:s8], [sflag:s22] =	dma.local [hbm:s6], s20  }
0x9f: {  	_ =	swait.ge [sflag:s22], s20  }
0xa0: {  	s5 =	ssub.s32 $0x0, s20;
	[sflag:s22] =	ssyncset.done $0x0  }
0xa1: {  	[sflag:s22] =	ssyncadd.s32 s5;
	_ =	sdelay $0x1  }
0xa2: {  	s23 =	simm.s32 $0x1B8B  }
0xa3: {  	_ =	swait.ge [sflag:s23], $0x1  }
0xa4: {  	[sflag:s23] =	ssyncset.done $0x0  }
0xa5: {  	s25 =	simm.s32 $0x1B8E;
	s24 =	sld [smem:$0x3FFE];
	[sflag:s23] =	ssyncadd.s32 $0xFFFFFFFF  }
0xa6: {  	s26 =	simm.s32 $execute0_lowered;
	[smem:$0x3FD2] =	sst s25  }
0xa7: {  	s6 =	sshll.u32 s26, $0x1;
	_ =	strace $0x80000046;
	[dreg:$0x1] =	wrdreg $0xFFFFFFFF  }
0xa8: {  	s28 =	simm.s32 $_size_execute0_lowered;
	s4 =	sadd.s32 s4, s6;
	[dreg:$0x0] =	wrdreg $0x0  }
0xa9: {  	s6 =	sshll.u32 s28, $0x1;
	[dreg:$0x2] =	wrdreg s4  }
0xaa: {  	[dreg:$0x3] =	wrdreg s6  }
0xab: {  	[dreg:$0x4] =	wrdreg $0xC0  }
0xac: {  	_ =	task [dreg:s8], $0x5FFFF  }
0xad: {  	[dreg:$0x1] =	wrdreg $0xFFFFFFFF  }
0xae: {  	[dreg:$0x0] =	wrdreg $0x60  }
0xaf: {  	[dreg:$0x2] =	wrdreg s18  }
0xb0: {  	[dreg:$0x3] =	wrdreg s24  }
0xb1: {  	[dreg:$0x4] =	wrdreg s2  }
0xb2: {  	[dreg:$0x5] =	wrdreg $0xA6000  }
0xb3: {  	[dreg:$0x6] =	wrdreg $0x9  }
0xb4: {  	_ =	task.clear_ibuf [dreg:s8], $0x7FFFF;
	_ =	strace $0x90000046  }
0xb5: {  	s29 =	simm.s32 $0x9;
	_ =	strace $0x80000048  }
0xb6: {  	_ =	swait.ge [sflag:s29], $0x1  }
0xb7: {  	[sflag:s29] =	ssyncadd.s32 $0xFFFFFFFF  }
0xb8: {  	_ =	strace $0x90000048  }
0xb9: {  	_ =	sfence  }
0xba: {  	s30 =	sld [smem:$0x0];
	_ =	sdelay $0x2  }
0xbb: {  	s31 =	sshll.u32 s1, $0xD;
	s1 =	sshrl.u32 s1, $0x2  }
0xbc: {  	s3 =	sand.u32 $0x4000, s31;
	s1 =	sadd.s32 s1, s30  }
0xbd: {  	s0 =	sor.u32 s3, s0;
	s1 =	sshll.u32 s1, $0x11  }
0xbe: {  	s0 =	sor.u32 s1, s0  }
0xbf: {  	s0 =	sadd.s32 $0x8F2B, s0  }
0xc0: {  	[sflag:s0] =	ssyncadd.remote.s32 $0x1  }
0xc1: {  	_ =	sfence.sel $0xFFFF  }
0xc2: {  	[dreg:$0x0] =	wrdreg $0xFFFFFFFF;
	(pc) =	sbr.abs _section_cstart, $3  }
0xc3: {  	[dreg:$0x1] =	wrdreg $0xFFFFFFFF  }
0xc4: {  	_ =	task.clear_ibuf [dreg:s8], $0x2FFFF;
	_ =	strace $0x9FFFFFFF  }
0xc5: {  	(tm) =	ssettm $0x7FFFFFFF  }
tec
execute0_lowered:
.L_overlay_start_1:
0x0: {  	(tag) =	ssettag $0x1  }
0x1: {  	s1 =	rddreg [dreg:$0x0]  }
0x2: {  	s0 =	rddreg [dreg:$0x1]  }
0x3: {  	s3 =	rddreg [dreg:$0x3];
	s2 =	srdreg.scid  }
0x4: {  	v0 =	vimm.s32 $0xEFCDAB89;
	s5 =	simm.s32 $0x0;
	s11 =	stileid.u32;
	v1 =	vimm.s32 $0x67452301;
	s28 =	simm.s32 $0x2E00  }
0x5: {  	v2 =	vimm.s32 $0xDCFE98BA;
	v3 =	vimm.s32 $0x54761032;
	s29 =	simm.s32 $0x1;
	s30 =	simm.s32 $0x2;
	s31 =	simm.s32 $0x580  }
0x6: {  	v4 =	vimm.s32 $0xBA98FEDC;
	v5 =	vimm.s32 $0x32107654;
	s2 =	sand.u32 $0x1, s2;
	[smem:$0x7FF] =	sst s5;
	s7 =	smul.u32 $0x15400, s11  }
0x7: {  	v6 =	vimm.s32 $0xFEDCBA98;
	s6 =	sadd.s32 $0x16200, s0;
	s9 =	smul.u32 $0x55000, s11;
	s8 =	sadd.s32 $0x2600, s0  }
0x8: {  	v7 =	vimm.s32 $0x76543210;
	s4 =	smul.u32 $0x154000, s2;
	_ =	strace $0x80000047;
	s20 =	ssub.s32 $0x2, s2  }
0x9: {  	vm0 =	vmmov $0x1;
	vm1 =	vcmask $0x320;
	vm2 =	vcmask $0x720;
	s2 =	sshll.u32 s2, $0x4;
	s10 =	sshrl.u32 s20, $0x1;
	s9 =	sshrl.u32 s9, $0x2  }
0xa: {  	vm3 =	vcmask $0xB20;
	vm4 =	vcmask $0xF20;
	v0 =	vunpack.c.l.s4.s8 v0;
	s2 =	sor.u32 s11, s2;
	s4 =	sadd.s32 s7, s4;
	s9 =	sadd.s32 s9, s3  }
0xb: {  	v1 =	vunpack.c.l.s4.s8 v1;
	v2 =	vunpack.c.l.s4.s8 v2;
	v3 =	vunpack.c.l.s4.s8 v3;
	s7 =	sadd.s32 $0xC400, s0;
	s18 =	smul.u32 $0x2710, s2;
	s21 =	sadd.s32 $0x2800, s9  }
0xc: {  	v4 =	vunpack.c.l.s4.s8 v4;
	v5 =	vunpack.c.l.s4.s8 v5;
	v6 =	vunpack.c.l.s4.s8 v6;
	s4 =	sshrl.u32 s4, $0x3;
	s22 =	sadd.s32 $0x5000, s9;
	[dreg:$0x5] =	wrdreg s21  }
0xd: {  	v0 =	vunpack.c.0.s8.s32 v0;
	v1 =	vunpack.c.0.s8.s32 v1;
	v2 =	vunpack.c.0.s8.s32 v2;
	s23 =	sadd.s32 $0x7800, s9;
	s24 =	sadd.s32 $0xA000, s9;
	[dreg:$0x6] =	wrdreg s22  }
0xe: {  	v3 =	vunpack.c.0.s8.s32 v3;
	v4 =	vunpack.c.0.s8.s32 v4;
	v5 =	vunpack.c.0.s8.s32 v5;
	s25 =	sadd.s32 $0xC800, s9;
	s26 =	sadd.s32 $0xF000, s9;
	[dreg:$0x7] =	wrdreg s23  }
0xf: {  	vm5 =	vcmask $0x1320;
	v7 =	vunpack.c.l.s4.s8 v7;
	v1 =	vcombine.low v1, v0;
	s16 =	sadd.s32 $0x11800, s9;
	s17 =	sadd.s32 $0x14000, s9;
	[dreg:$0x8] =	wrdreg s24  }
0x10: {  	v2 =	vcombine.low v3, v2;
	v3 =	vcombine.low v5, v4;
	v4 =	vunpack.c.0.s8.s32 v6;
	s0 =	sadd.s32 s4, s0;
	s4 =	ssub.s32 s20, s10;
	[dreg:$0x9] =	wrdreg s25  }
0x11: {  	vm6 =	vcmask $0x1720;
	vm7 =	vcmask $0x1B20;
	v5 =	vunpack.c.0.s8.s32 v7;
	[dreg:$0xa] =	wrdreg s26;
	s21 =	simm.s32 $0x5600;
	s22 =	simm.s32 $0x3  }
0x12: {  	v0 =	vimm.f32 $0.0e+00;
	s23 =	simm.s32 $0x400;
	s24 =	simm.s32 $0x480;
	s25 =	simm.s32 $0x50;
	v1 =	vand.u32 $0xF, v1;
	v4 =	vand.u32 $0xF, v4  }
0x13: {  	s26 =	simm.s32 $0x600;
	s19 =	sadd.s32 $0x3D400, s0;
	s20 =	smax.u32 s4, $0x1;
	v2 =	vand.u32 $0xF, v2;
	v3 =	vand.u32 $0xF, v3;
	v4 =	vcombine.low v4, v5  }
.LBB2_1:
0x14: {  	s0 =	simm.s32 $0x0;
	s2 =	simm.s32 $0x200  }
.LBB2_2:
0x15: {  	p0 =	sne.s32 s2, $0x9E00;
	[tilespmem:s0+$0x7E70] =	vst v0  }
0x16: {  	[tilespmem:s0+$0x5600] =	vst v0  }
0x17: {  	[tilespmem:s0+$0x7E00] =	vst v0  }
0x18: {  	[tilespmem:s0+$0x5610] =	vst v0  }
0x19: {  	[tilespmem:s0+$0x7E10] =	vst v0  }
0x1a: {  	[tilespmem:s0+$0x5620] =	vst v0  }
0x1b: {  	[tilespmem:s0+$0x7E20] =	vst v0  }
0x1c: {  	[tilespmem:s0+$0x5630] =	vst v0  }
0x1d: {  	[tilespmem:s0+$0x7E30] =	vst v0  }
0x1e: {  	[tilespmem:s0+$0x5640] =	vst v0  }
0x1f: {  	[tilespmem:s0+$0x7E40] =	vst v0  }
.Ltmp0:
0x20: {  	[tilespmem:s0+$0x5650] =	vst v0;
	(pc) =	sbr.rel @p0 .LBB2_2-.Ltmp0, $4  }
0x21: {  	[tilespmem:s0+$0x7E50] =	vst v0  }
0x22: {  	[tilespmem:s0+$0x5660] =	vst v0  }
0x23: {  	[tilespmem:s0+$0x7E60] =	vst v0  }
0x24: {  	[tilespmem:s0+$0x5670] =	vst v0;
	s0 =	sshra.s32 s2, $0x2;
	s2 =	sadd.s32 $0x200, s2  }
0x25: {  	[tilespmem:s0+$0x7E70] =	vst v0  }
0x26: {  	[tilespmem:s0+$0x5600] =	vst v0  }
0x27: {  	[tilespmem:s0+$0x7E00] =	vst v0  }
0x28: {  	[tilespmem:s0+$0x5610] =	vst v0  }
0x29: {  	[tilespmem:s0+$0x7E10] =	vst v0  }
0x2a: {  	[tilespmem:s0+$0x5620] =	vst v0  }
0x2b: {  	[tilespmem:s0+$0x7E20] =	vst v0  }
0x2c: {  	[tilespmem:s0+$0x5630] =	vst v0  }
0x2d: {  	[tilespmem:s0+$0x7E30] =	vst v0  }
0x2e: {  	[tilespmem:s0+$0x5640] =	vst v0  }
0x2f: {  	[tilespmem:s0+$0x7E40] =	vst v0  }
0x30: {  	[tilespmem:s0+$0x5650] =	vst v0  }
0x31: {  	[tilespmem:s0+$0x7E50] =	vst v0  }
0x32: {  	[tilespmem:s0+$0x5660] =	vst v0  }
0x33: {  	[tilespmem:s0+$0x7E60] =	vst v0  }
0x34: {  	[tilespmem:s0+$0x5670] =	vst v0  }
0x35: {  	[spmem:s9] =	stream.linear.scatter [tilespmem:s21], [sflag:$0x3], $0x2800, $0x38;
	[tilespmem:$0x1FA00] =	vst v63  }
0x36: {  	_ =	swait.ge [sflag:s22], $0x2800  }
0x37: {  	[sflag:s22] =	ssyncset.done $0x0  }
0x38: {  	s10 =	rddreg [dreg:$0x5];
	[sflag:s22] =	ssyncadd.s32 $0xFFFFD800  }
0x39: {  	[spmem:s10] =	stream.linear.scatter [tilespmem:s21], [sflag:$0x3], $0x2800, $0x38;
	[tilespmem:$0x1FA00] =	vst v63  }
0x3a: {  	_ =	swait.ge [sflag:s22], $0x2800  }
0x3b: {  	[sflag:s22] =	ssyncset.done $0x0  }
0x3c: {  	s11 =	rddreg [dreg:$0x6];
	[sflag:s22] =	ssyncadd.s32 $0xFFFFD800  }
0x3d: {  	[spmem:s11] =	stream.linear.scatter [tilespmem:s21], [sflag:$0x3], $0x2800, $0x38;
	[tilespmem:$0x1FA00] =	vst v63  }
0x3e: {  	_ =	swait.ge [sflag:s22], $0x2800  }
0x3f: {  	[sflag:s22] =	ssyncset.done $0x0  }
0x40: {  	s12 =	rddreg [dreg:$0x7];
	[sflag:s22] =	ssyncadd.s32 $0xFFFFD800  }
0x41: {  	[spmem:s12] =	stream.linear.scatter [tilespmem:s21], [sflag:$0x3], $0x2800, $0x38;
	[tilespmem:$0x1FA00] =	vst v63  }
0x42: {  	_ =	swait.ge [sflag:s22], $0x2800  }
0x43: {  	[sflag:s22] =	ssyncset.done $0x0  }
0x44: {  	s13 =	rddreg [dreg:$0x8];
	[sflag:s22] =	ssyncadd.s32 $0xFFFFD800  }
0x45: {  	[spmem:s13] =	stream.linear.scatter [tilespmem:s21], [sflag:$0x3], $0x2800, $0x38;
	[tilespmem:$0x1FA00] =	vst v63  }
0x46: {  	_ =	swait.ge [sflag:s22], $0x2800  }
0x47: {  	[sflag:s22] =	ssyncset.done $0x0  }
0x48: {  	s14 =	rddreg [dreg:$0x9];
	[sflag:s22] =	ssyncadd.s32 $0xFFFFD800  }
0x49: {  	[spmem:s14] =	stream.linear.scatter [tilespmem:s21], [sflag:$0x3], $0x2800, $0x38;
	[tilespmem:$0x1FA00] =	vst v63  }
0x4a: {  	_ =	swait.ge [sflag:s22], $0x2800  }
0x4b: {  	[sflag:s22] =	ssyncset.done $0x0  }
0x4c: {  	s15 =	rddreg [dreg:$0xa];
	[sflag:s22] =	ssyncadd.s32 $0xFFFFD800  }
0x4d: {  	[spmem:s15] =	stream.linear.scatter [tilespmem:s21], [sflag:$0x3], $0x2800, $0x38;
	[tilespmem:$0x1FA00] =	vst v63  }
0x4e: {  	_ =	swait.ge [sflag:s22], $0x2800  }
0x4f: {  	[sflag:s22] =	ssyncset.done $0x0  }
0x50: {  	[sflag:s22] =	ssyncadd.s32 $0xFFFFD800  }
0x51: {  	[spmem:s16] =	stream.linear.scatter [tilespmem:s21], [sflag:$0x3], $0x2800, $0x38;
	[tilespmem:$0x1FA00] =	vst v63  }
0x52: {  	_ =	swait.ge [sflag:s22], $0x2800  }
0x53: {  	[sflag:s22] =	ssyncset.done $0x0  }
0x54: {  	[sflag:s22] =	ssyncadd.s32 $0xFFFFD800  }
0x55: {  	[spmem:s17] =	stream.linear.scatter [tilespmem:s21], [sflag:$0x3], $0x1400, $0x38;
	[tilespmem:$0x1FA00] =	vst v63  }
0x56: {  	_ =	swait.ge [sflag:s22], $0x1400  }
0x57: {  	[sflag:s22] =	ssyncset.done $0x0  }
0x58: {  	[sflag:s22] =	ssyncadd.s32 $0xFFFFEC00  }
0x59: {  	[bflag:$0x0] =	sbarrier.arrive $0xFFFF  }
0x5a: {  	s0 =	simm.s32 $0x0;
	s2 =	rddreg [dreg:$0x2]  }
0x5b: {  	[tilespmem:s0], [sflag:$0x3] =	stream.linear.gather [hbm4b:s2+s0], $0x400, $0x38;
	[tilespmem:$0x1FA00] =	vst v63  }
0x5c: {  	_ =	swait.ge [sflag:s22], $0x400  }
0x5d: {  	[sflag:s22] =	ssyncset.done $0x0  }
0x5e: {  	[sflag:s22] =	ssyncadd.s32 $0xFFFFFC00  }
0x5f: {  	v5 =	vld [tilespmem:$0x0]  }
0x60: {  	v6 =	vld [tilespmem:$0x80]  }
0x61: {  	v7 =	vld [tilespmem:$0x100]  }
0x62: {  	v8 =	vld [tilespmem:$0x180]  }
0x63: {  	v9 =	vld [tilespmem:$0x200]  }
0x64: {  	v10 =	vld [tilespmem:$0x280]  }
0x65: {  	v11 =	vld [tilespmem:$0x300]  }
0x66: {  	s2 =	simm.s32 $0x0;
	v12 =	vld [tilespmem:$0x380]  }
.LBB2_4:
0x67: {  	s4 =	smul.u32 $0x50, s2;
	_ =	sdelay $0x1  }
0x68: {  	s4 =	sadd.s32 s18, s4  }
0x69: {  	s4 =	sshrl.u32 s4, $0x3  }
0x6a: {  	s10 =	sadd.s32 s7, s4  }
0x6b: {  	[tilespmem:s23], [sflag:$0x3] =	stream.linear.gather [hbm4b:s10+s0], $0x50, $0x38;
	[tilespmem:$0x1FA00] =	vst v63  }
0x6c: {  	_ =	swait.ge [sflag:s22], $0x50  }
0x6d: {  	[sflag:s22] =	ssyncset.done $0x0  }
0x6e: {  	s4 =	sadd.s32 s8, s4;
	[sflag:s22] =	ssyncadd.s32 $0xFFFFFFB0  }
0x6f: {  	[tilespmem:s24], [sflag:$0x3] =	stream.linear.gather [hbm4b:s4+s0], $0x50, $0x38;
	[tilespmem:$0x1FA00] =	vst v63  }
0x70: {  	_ =	swait.ge [sflag:s22], $0x50  }
0x71: {  	[sflag:s22] =	ssyncset.done $0x0  }
0x72: {  	s10 =	simm.s32 $0x500;
	[sflag:s22] =	ssyncadd.s32 $0xFFFFFFB0  }
0x73: {  	[tilespmem:s10], [sflag:$0x3] =	stream.linear.gather [hbm4b:s4+s0], $0x50, $0x38;
	[tilespmem:$0x1FA00] =	vst v63  }
0x74: {  	_ =	swait.ge [sflag:s22], $0x50  }
0x75: {  	[sflag:s22] =	ssyncset.done $0x0  }
0x76: {  	[sflag:s22] =	ssyncadd.s32 $0xFFFFFFB0  }
0x77: {  	[tilespmem:s26], [sflag:$0x1] =	stream.indirect.gather [hbm4b:s1+s25], $0x80, s23, s25, $0xb8;
	[tilespmem:$0x1FA00] =	vst v63  }
0x78: {  	_ = 	snop  }
0x79: {  	[tilespmem:s28], [sflag:$0x2] =	stream.indirect.gather [hbm4b:s6+s25], $0x80, s24, s25, $0xb8;
	[tilespmem:$0x1FA00] =	vst v63  }
0x7a: {  	v13 =	vld [tilespmem:$0x500]  }
0x7b: {  	v14 =	vld [tilespmem:$0x510]  }
0x7c: {  	v15 =	vld [tilespmem:$0x520]  }
0x7d: {  	v16 =	vld [tilespmem:$0x530]  }
0x7e: {  	v17 =	vld [tilespmem:$0x540]  }
0x7f: {  	v13 =	vshra.s32 v13, $0x4  }
0x80: {  	v14 =	vshra.s32 v14, $0x4;
	v13 =	vadd.s32 $0x2800, v13  }
0x81: {  	[tilespmem:$0x580] =	vst v13;
	v13 =	vadd.s32 $0x2800, v14;
	v14 =	vshra.s32 v15, $0x4  }
0x82: {  	[tilespmem:$0x590] =	vst v13;
	v13 =	vadd.s32 $0x2800, v14;
	v14 =	vshra.s32 v16, $0x4  }
0x83: {  	[tilespmem:$0x5A0] =	vst v13;
	v13 =	vadd.s32 $0x2800, v14;
	v14 =	vshra.s32 v17, $0x4  }
0x84: {  	[tilespmem:$0x5B0] =	vst v13;
	v13 =	vadd.s32 $0x2800, v14  }
0x85: {  	[tilespmem:$0x5C0] =	vst v13  }
0x86: {  	_ =	swait.ge [sflag:s29], $0x2800  }
0x87: {  	[sflag:s29] =	ssyncset.done $0x0  }
0x88: {  	[sflag:s29] =	ssyncadd.s32 $0xFFFFD800  }
0x89: {  	_ =	swait.ge [sflag:s30], $0x2800  }
0x8a: {  	[sflag:s30] =	ssyncset.done $0x0  }
0x8b: {  	s4 =	simm.s32 $0x0;
	[sflag:s30] =	ssyncadd.s32 $0xFFFFD800  }
0x8c: {  	v15 =	vld [tilespmem:s4+$0x2E00]  }
0x8d: {  	v13 =	vld [tilespmem:s4+$0x600]  }
0x8e: {  	v19 =	vld [tilespmem:s4+$0x2E10]  }
0x8f: {  	v17 =	vld [tilespmem:s4+$0x610]  }
0x90: {  	v20 =	vld [tilespmem:s4+$0x2E40]  }
0x91: {  	v14 =	vld [tilespmem:s4+$0x640]  }
0x92: {  	v21 =	vld [tilespmem:s4+$0x2E20]  }
0x93: {  	v18 =	vld [tilespmem:s4+$0x620]  }
0x94: {  	v23 =	vld [tilespmem:s4+$0x2E30]  }
0x95: {  	v16 =	vld [tilespmem:s4+$0x630]  }
0x96: {  	v25 =	vld [tilespmem:s4+$0x2E70];
	v22 =	vadd.f32 v15, v13  }
0x97: {  	v15 =	vld [tilespmem:s4+$0x670]  }
0x98: {  	v19 =	vadd.f32 v19, v17;
	v24 =	vmul.f32 $2.000000030e-01, v22  }
0x99: {  	v21 =	vadd.f32 v21, v18  }
0x9a: {  	v20 =	vadd.f32 v20, v14;
	v22 =	vmax.f32 v22, v24;
	v24 =	vmul.f32 $2.000000030e-01, v19  }
0x9b: {  	v23 =	vadd.f32 v23, v16;
	v28 =	vmul.f32 $2.000000030e-01, v21;
	v22 =	vmul.f32 v22, v5  }
0x9c: {  	v25 =	vadd.f32 v25, v15;
	v19 =	vmax.f32 v19, v24;
	v24 =	vmul.f32 $2.000000030e-01, v20  }
0x9d: {  	v21 =	vmax.f32 v21, v28;
	v26 =	vperm.xlane v22, v1;
	v27 =	vmul.f32 v19, v6  }
0x9e: {  	v21 =	vmul.f32 v21, v7;
	v19 =	vld [tilespmem:s4+$0x660];
	v29 =	vmul.f32 $2.000000030e-01, v25;
	v20 =	vmax.f32 v20, v24  }
0x9f: {  	v24 =	vmul.f32 $2.000000030e-01, v23;
	v22 =	vadd.f32 v22, v26;
	v26 =	vld [tilespmem:s4+$0x2E60];
	v28 =	vperm.xlane v27, v1  }
0xa0: {  	v25 =	vmax.f32 v25, v29;
	v29 =	vperm.xlane v21, v1  }
0xa1: {  	v23 =	vmax.f32 v23, v24;
	v30 =	vperm.xlane v22, v2;
	v27 =	vadd.f32 v27, v28  }
0xa2: {  	v24 =	vmul.f32 v20, v9;
	v20 =	vld [tilespmem:s4+$0x650];
	v25 =	vmul.f32 v25, v12;
	v29 =	vadd.f32 v21, v29  }
0xa3: {  	v28 =	vld [tilespmem:s4+$0x2E50];
	v23 =	vmul.f32 v23, v8;
	v22 =	vadd.f32 v22, v30;
	v30 =	vperm.xlane v27, v2  }
0xa4: {  	v31 =	vperm.xlane v24, v1;
	v21 =	vperm.xlane v25, v1;
	v26 =	vadd.f32 v26, v19  }
0xa5: {  	v33 =	vperm.xlane v29, v2;
	v34 =	vperm.xlane v23, v1;
	v27 =	vadd.f32 v27, v30  }
0xa6: {  	v25 =	vadd.f32 v25, v21;
	v32 =	vperm.xlane v22, v3;
	v30 =	vmul.f32 $2.000000030e-01, v26  }
0xa7: {  	v29 =	vadd.f32 v29, v33;
	v23 =	vadd.f32 v23, v34;
	v59 =	vperm.xlane v27, v3  }
0xa8: {  	v28 =	vadd.f32 v28, v20;
	v26 =	vmax.f32 v26, v30;
	v30 =	vperm.xlane v25, v2  }
0xa9: {  	v21 =	vadd.f32 v22, v32;
	v60 =	vperm.xlane v29, v3;
	v27 =	vadd.f32 v27, v59  }
0xaa: {  	v34 =	vperm.xlane v23, v2;
	v61 =	vmul.f32 $2.000000030e-01, v28;
	v25 =	vadd.f32 v25, v30  }
0xab: {  	v31 =	vadd.f32 v24, v31;
	v22 =	vperm.xlane v21, v4;
	v30 =	vperm.xlane v27, v4  }
0xac: {  	v29 =	vadd.f32 v29, v60;
	v26 =	vmul.f32 v26, v11;
	v24 =	vperm.xlane v25, v3  }
0xad: {  	v28 =	vmax.f32 v28, v61;
	v27 =	vadd.f32 v27, v30;
	v30 =	vperm.xlane v31, v2  }
0xae: {  	v32 =	vperm.xlane v29, v4;
	v33 =	vmul.f32 v28, v10;
	v25 =	vadd.f32 v25, v24  }
0xaf: {  	v24 =	vadd.f32 v23, v34;
	v23 =	vperm.xlane v26, v1;
	v31 =	vadd.f32 v31, v30  }
0xb0: {  	v29 =	vadd.f32 v29, v32;
	v62 =	vperm.xlane v33, v1;
	v28 =	vmul.f32 $1.442695020e+00, v27  }
0xb1: {  	v63 =	vperm.xlane v25, v4;
	v30 =	vadd.f32 v26, v23;
	v35 =	vperm.xlane v31, v3  }
0xb2: {  	v27 =	vadd.f32 v33, v62;
	v29 =	vmul.f32 $1.442695020e+00, v29;
	v26 =	vperm.xlane v24, v3  }
0xb3: {  	s12 =	simm.s32 $0x200;
	s11 =	simm.s32 $0x500;
	v23 =	vadd.f32 v25, v63;
	v25 =	vadd.f32 v31, v35;
	v31 =	vperm.xlane v30, v2  }
.LBB2_5:
0xb4: {  	p0 =	sne.s32 s12, $0x9E00  }
0xb5: {  	v21 =	vadd.f32 v21, v22;
	v22 =	vperm.xlane v27, v2;
	s10 =	sadd.s32 $0x1, s10;
	(erf) = vpow2.f32 v28;
	s13 =	smov.u32 s12;
	s12 =	sadd.s32 $0x200, s12  }
0xb6: {  	v28 =	vperm.xlane v25, v4;
	v30 =	vadd.f32 v30, v31;
	(erf) = vpow2.f32 v29  }
0xb7: {  	v24 =	vadd.f32 v24, v26;
	v21 =	vmul.f32 $1.442695020e+00, v21;
	v22 =	vadd.f32 v27, v22  }
0xb8: {  	v25 =	vadd.f32 v25, v28;
	v26 =	vperm.xlane v30, v3  }
0xb9: {  	v27 =	vperm.xlane v24, v4;
	v28 =	vperm.xlane v22, v3  }
0xba: {  	v25 =	vmul.f32 $1.442695020e+00, v25;
	v26 =	vadd.f32 v30, v26;
	(erf) = vpow2.f32 v21  }
0xbb: {  	v21 =	vadd.f32 v24, v27;
	v22 =	vadd.f32 v22, v28  }
0xbc: {  	v24 =	vperm.xlane v26, v4;
	(erf) = vpow2.f32 v25  }
0xbd: {  	v21 =	vmul.f32 $1.442695020e+00, v21;
	v27 =	vperm.xlane v22, v4  }
0xbe: {  	v23 =	vmul.f32 $1.442695020e+00, v23;
	v24 =	vadd.f32 v26, v24;
	v26 =	vpop (erf)  }
0xbf: {  	v17 =	vmul.f32 v26, v17;
	v22 =	vadd.f32 v22, v27;
	v25 =	vpop (erf);
	(erf) = vpow2.f32 v21  }
0xc0: {  	v24 =	vmul.f32 $1.442695020e+00, v24;
	(erf) = vpow2.f32 v23  }
0xc1: {  	v18 =	vmul.f32 v25, v18;
	v22 =	vmul.f32 $1.442695020e+00, v22  }
0xc2: {  	(erf) = vpow2.f32 v24  }
0xc3: {  	v21 =	vpop (erf);
	(erf) = vpow2.f32 v22  }
0xc4: {  	v13 =	vmul.f32 v21, v13;
	v21 =	vnsel vm0, $0x0, v21  }
0xc5: {  	v21 =	vsel vm1, v21, v26;
	v22 =	vpop (erf)  }
0xc6: {  	v21 =	vsel vm2, v21, v25;
	v14 =	vmul.f32 v22, v14;
	_ =	sdelay $0x1  }
0xc7: {  	[tilespmem:s4+$0x5600] =	vst v13;
	v13 =	vpop (erf)  }
0xc8: {  	[tilespmem:s4+$0x5610] =	vst v17;
	v16 =	vmul.f32 v13, v16;
	v13 =	vsel vm3, v21, v13;
	v17 =	vpop (erf)  }
0xc9: {  	[tilespmem:s4+$0x5620] =	vst v18;
	v13 =	vsel vm4, v13, v22;
	v15 =	vmul.f32 v17, v15  }
0xca: {  	[tilespmem:s4+$0x5640] =	vst v14;
	v14 =	vpop (erf)  }
0xcb: {  	s13 =	sshra.s32 s13, $0x2;
	[tilespmem:s4+$0x5630] =	vst v16;
	v16 =	vmul.f32 v14, v19;
	v18 =	vpop (erf)  }
0xcc: {  	v19 =	vmul.f32 v18, v20;
	v13 =	vsel vm5, v13, v18;
	[tilespmem:s4+$0x5670] =	vst v15  }
0xcd: {  	[tilespmem:s4+$0x5660] =	vst v16;
	v13 =	vsel vm6, v13, v14  }
0xce: {  	[tilespmem:s4+$0x5650] =	vst v19;
	v13 =	vsel vm7, v13, v17  }
0xcf: {  	v14 =	vld [tilespmem:s11+$0x0];
	s11 =	smov.u32 s10;
	_ =	sdelay $0x4  }
0xd0: {  	(v2sf) =	vpush v14, $0x0;
	_ =	sdelay $0xe  }
0xd1: {  	v14 =	vperm.xlane v13, v4;
	s14 =	spop (v2sf)  }
0xd2: {  	s15 =	sand.u32 $0x1, s14;
	s14 =	sshll.u32 s14, $0x3  }
0xd3: {  	p1 =	seq.s32 s15, $0x1;
	s14 =	sand.u32 $0x70, s14  }
0xd4: {  	v13 =	vpsel p1, v14, v13;
	s14 =	sadd.s32 s4, s14;
	s4 =	smov.u32 s13  }
0xd5: {  	[tilespmem:s14+$0x7E00] =	vst v13  }
0xd6: {  	v15 =	vld [tilespmem:s4+$0x2E00]  }
0xd7: {  	v13 =	vld [tilespmem:s4+$0x600]  }
0xd8: {  	v16 =	vld [tilespmem:s4+$0x2E10]  }
0xd9: {  	v17 =	vld [tilespmem:s4+$0x610]  }
0xda: {  	v19 =	vld [tilespmem:s4+$0x2E40]  }
0xdb: {  	v14 =	vld [tilespmem:s4+$0x640]  }
0xdc: {  	v15 =	vadd.f32 v15, v13;
	v20 =	vld [tilespmem:s4+$0x2E20]  }
0xdd: {  	v18 =	vld [tilespmem:s4+$0x620]  }
0xde: {  	v21 =	vmul.f32 $2.000000030e-01, v15;
	v22 =	vadd.f32 v16, v17;
	v23 =	vld [tilespmem:s4+$0x2E30]  }
0xdf: {  	v16 =	vld [tilespmem:s4+$0x630]  }
0xe0: {  	v21 =	vmax.f32 v15, v21;
	v24 =	vmul.f32 $2.000000030e-01, v22;
	v19 =	vadd.f32 v19, v14;
	v15 =	vld [tilespmem:s4+$0x670]  }
0xe1: {  	v21 =	vmul.f32 v21, v5;
	v25 =	vld [tilespmem:s4+$0x2E70]  }
0xe2: {  	v22 =	vmax.f32 v22, v24;
	v20 =	vadd.f32 v20, v18  }
0xe3: {  	v24 =	vmul.f32 $2.000000030e-01, v19;
	v22 =	vmul.f32 v22, v6  }
0xe4: {  	v26 =	vperm.xlane v21, v1;
	v27 =	vmul.f32 $2.000000030e-01, v20  }
0xe5: {  	v23 =	vadd.f32 v23, v16;
	v24 =	vmax.f32 v19, v24  }
0xe6: {  	v20 =	vmax.f32 v20, v27;
	v19 =	vld [tilespmem:s4+$0x660];
	v25 =	vadd.f32 v25, v15  }
0xe7: {  	v21 =	vadd.f32 v21, v26;
	v26 =	vmul.f32 v20, v7;
	v20 =	vmul.f32 $2.000000030e-01, v23;
	v27 =	vld [tilespmem:s4+$0x2E60]  }
0xe8: {  	v28 =	vperm.xlane v22, v1;
	v29 =	vmul.f32 $2.000000030e-01, v25  }
0xe9: {  	v24 =	vmul.f32 v24, v9;
	v30 =	vperm.xlane v21, v2;
	v23 =	vmax.f32 v23, v20  }
0xea: {  	v22 =	vadd.f32 v22, v28;
	v28 =	vld [tilespmem:s4+$0x2E50];
	v25 =	vmax.f32 v25, v29  }
0xeb: {  	v21 =	vadd.f32 v21, v30;
	v29 =	vperm.xlane v26, v1;
	v20 =	vld [tilespmem:s4+$0x650];
	v25 =	vmul.f32 v25, v12  }
0xec: {  	v31 =	vperm.xlane v24, v1;
	v30 =	vperm.xlane v22, v2;
	v27 =	vadd.f32 v27, v19  }
0xed: {  	v23 =	vmul.f32 v23, v8;
	v26 =	vadd.f32 v26, v29;
	v29 =	vperm.xlane v25, v1  }
0xee: {  	v32 =	vperm.xlane v21, v3;
	v30 =	vadd.f32 v22, v30;
	v22 =	vmul.f32 $2.000000030e-01, v27  }
0xef: {  	v34 =	vperm.xlane v23, v1;
	v33 =	vperm.xlane v26, v2;
	v25 =	vadd.f32 v25, v29  }
0xf0: {  	v21 =	vadd.f32 v21, v32;
	v29 =	vperm.xlane v30, v3;
	v28 =	vadd.f32 v28, v20  }
0xf1: {  	v26 =	vadd.f32 v26, v33;
	v27 =	vmax.f32 v27, v22;
	v32 =	vperm.xlane v25, v2  }
0xf2: {  	v23 =	vadd.f32 v23, v34;
	v22 =	vperm.xlane v21, v4;
	v29 =	vadd.f32 v30, v29  }
0xf3: {  	v30 =	vperm.xlane v26, v3;
	v33 =	vmul.f32 $2.000000030e-01, v28;
	v25 =	vadd.f32 v25, v32  }
0xf4: {  	v31 =	vadd.f32 v24, v31;
	v34 =	vperm.xlane v23, v2;
	v32 =	vperm.xlane v29, v4  }
0xf5: {  	v27 =	vmul.f32 v27, v11;
	v26 =	vadd.f32 v26, v30;
	v24 =	vperm.xlane v25, v3  }
0xf6: {  	v30 =	vperm.xlane v31, v2;
	v28 =	vmax.f32 v28, v33;
	v29 =	vadd.f32 v29, v32  }
0xf7: {  	v33 =	vmul.f32 v28, v10;
	v32 =	vperm.xlane v26, v4;
	v25 =	vadd.f32 v25, v24  }
.Ltmp1:
0xf8: {  	v31 =	vadd.f32 v31, v30;
	v24 =	vadd.f32 v23, v34;
	v23 =	vperm.xlane v27, v1;
	(pc) =	sbr.rel @p0 .LBB2_5-.Ltmp1, $4  }
0xf9: {  	v34 =	vperm.xlane v33, v1;
	v32 =	vadd.f32 v26, v32;
	v35 =	vperm.xlane v25, v4  }
0xfa: {  	v28 =	vmul.f32 $1.442695020e+00, v29;
	v36 =	vperm.xlane v31, v3;
	v30 =	vadd.f32 v27, v23  }
0xfb: {  	v26 =	vperm.xlane v24, v3;
	v27 =	vadd.f32 v33, v34;
	v23 =	vadd.f32 v25, v35  }
0xfc: {  	v29 =	vmul.f32 $1.442695020e+00, v32;
	v25 =	vadd.f32 v31, v36;
	v31 =	vperm.xlane v30, v2  }
0xfd: {  	v32 =	vperm.xlane v27, v2  }
0xfe: {  	v30 =	vadd.f32 v30, v31  }
0xff: {  	v21 =	vadd.f32 v21, v22;
	v49 =	vperm.xlane v25, v4;
	v47 =	vadd.f32 v27, v32  }
0x100: {  	(erf) = vpow2.f32 v28;
	v24 =	vadd.f32 v24, v26;
	v48 =	vperm.xlane v30, v3  }
0x101: {  	v21 =	vmul.f32 $1.442695020e+00, v21;
	v25 =	vadd.f32 v25, v49;
	v50 =	vperm.xlane v47, v3  }
0x102: {  	(erf) = vpow2.f32 v29;
	v51 =	vperm.xlane v24, v4;
	v26 =	vadd.f32 v30, v48  }
0x103: {  	(erf) = vpow2.f32 v21;
	v25 =	vmul.f32 $1.442695020e+00, v25;
	v22 =	vadd.f32 v47, v50  }
0x104: {  	v52 =	vadd.f32 v24, v51;
	v53 =	vperm.xlane v26, v4  }
0x105: {  	(erf) = vpow2.f32 v25;
	v54 =	vperm.xlane v22, v4  }
0x106: {  	v21 =	vmul.f32 $1.442695020e+00, v52;
	v24 =	vadd.f32 v26, v53  }
0x107: {  	v23 =	vmul.f32 $1.442695020e+00, v23;
	v22 =	vadd.f32 v22, v54  }
0x108: {  	(erf) = vpow2.f32 v21;
	v55 =	vmul.f32 $1.442695020e+00, v24  }
0x109: {  	(erf) = vpow2.f32 v23;
	v22 =	vmul.f32 $1.442695020e+00, v22  }
0x10a: {  	v56 =	vpop (erf);
	(erf) = vpow2.f32 v55  }
0x10b: {  	v57 =	vpop (erf);
	(erf) = vpow2.f32 v22  }
0x10c: {  	v58 =	vpop (erf)  }
0x10d: {  	v13 =	vmul.f32 v58, v13  }
0x10e: {  	v59 =	vpop (erf)  }
0x10f: {  	v17 =	vmul.f32 v56, v17;
	[tilespmem:s4+$0x5600] =	vst v13;
	v13 =	vmul.f32 v59, v14  }
0x110: {  	v18 =	vmul.f32 v57, v18  }
0x111: {  	[tilespmem:s4+$0x5610] =	vst v17;
	v14 =	vpop (erf)  }
0x112: {  	[tilespmem:s4+$0x5620] =	vst v18;
	v16 =	vmul.f32 v14, v16;
	v60 =	vpop (erf)  }
0x113: {  	v15 =	vmul.f32 v60, v15;
	[tilespmem:s4+$0x5640] =	vst v13;
	v13 =	vpop (erf)  }
0x114: {  	[tilespmem:s4+$0x5630] =	vst v16;
	v61 =	vmul.f32 v13, v19;
	v62 =	vpop (erf)  }
0x115: {  	[tilespmem:s4+$0x5670] =	vst v15;
	v63 =	vmul.f32 v62, v20  }
0x116: {  	[tilespmem:s4+$0x5660] =	vst v61  }
0x117: {  	[tilespmem:s4+$0x5650] =	vst v63  }
0x118: {  	v15 =	vld [tilespmem:s11+$0x0];
	_ =	sdelay $0x4  }
0x119: {  	(v2sf) =	vpush v15, $0x0;
	_ =	sdelay $0x7  }
0x11a: {  	v15 =	vnsel vm0, $0x0, v58  }
0x11b: {  	v15 =	vsel vm1, v15, v56  }
0x11c: {  	v15 =	vsel vm2, v15, v57  }
0x11d: {  	v14 =	vsel vm3, v15, v14  }
0x11e: {  	v14 =	vsel vm4, v14, v59  }
0x11f: {  	v14 =	vsel vm5, v14, v62  }
0x120: {  	v13 =	vsel vm6, v14, v13  }
0x121: {  	v13 =	vsel vm7, v13, v60;
	s10 =	spop (v2sf)  }
0x122: {  	v14 =	vperm.xlane v13, v4;
	s12 =	sand.u32 $0x1, s10;
	s10 =	sshll.u32 s10, $0x3  }
0x123: {  	p0 =	seq.s32 s12, $0x1;
	s10 =	sand.u32 $0x70, s10  }
0x124: {  	v13 =	vpsel p0, v14, v13;
	s13 =	sadd.s32 s4, s10  }
0x125: {  	[tilespmem:s13+$0x7E00] =	vst v13  }
0x126: {  	[spmem:s3] =	stream.indirect.scatter.add.f32 [tilespmem:s21], [sflag:$0x3], $0x80, s24, s25, $0xb8;
	[tilespmem:$0x1FA00] =	vst v63  }
0x127: {  	_ =	swait.ge [sflag:s22], $0x2800  }
0x128: {  	[sflag:s22] =	ssyncset.done $0x0  }
0x129: {  	s4 =	simm.s32 $0x7E00;
	[sflag:s22] =	ssyncadd.s32 $0xFFFFD800  }
0x12a: {  	[spmem:s3] =	stream.indirect.scatter.add.f32 [tilespmem:s4], [sflag:$0x3], $0x80, s31, s25, $0xb8;
	[tilespmem:$0x1FA00] =	vst v63  }
0x12b: {  	_ =	swait.ge [sflag:s22], $0x2800  }
0x12c: {  	[sflag:s22] =	ssyncset.done $0x0  }
0x12d: {  	s14 =	simm.s32 $0x0;
	[sflag:s22] =	ssyncadd.s32 $0xFFFFD800  }
0x12e: {  	v13 =	vld [tilespmem:s14+$0x500];
	_ =	sdelay $0x4  }
0x12f: {  	(v2sf) =	vpush v13, $0x0;
	_ =	sdelay $0xe  }
0x130: {  	s15 =	spop (v2sf)  }
0x131: {  	s10 =	sshll.u32 s15, $0x3  }
0x132: {  	s10 =	sand.u32 $0x70, s10  }
0x133: {  	s12 =	sadd.s32 $0x7E00, s10  }
0x134: {  	s11 =	simm.s32 $0x1;
	s10 =	simm.s32 $0x8;
	[tilespmem:s12+$0x0] =	vst v0  }
.LBB2_7:
0x135: {  	p0 =	sne.s32 s10, $0x13C;
	v13 =	vld [tilespmem:s11+$0x500];
	_ =	sdelay $0x4  }
0x136: {  	(v2sf) =	vpush v13, $0x0;
	_ =	sdelay $0xe  }
.Ltmp2:
0x137: {  	s11 =	spop (v2sf);
	(pc) =	sbr.rel @p0 .LBB2_7-.Ltmp2, $4  }
0x138: {  	s11 =	sshll.u32 s11, $0x3  }
0x139: {  	s4 =	sadd.s32 $0x80, s4;
	s11 =	sand.u32 $0x70, s11  }
0x13a: {  	s12 =	sadd.s32 s11, s4  }
0x13b: {  	s11 =	sshra.s32 s10, $0x2;
	s10 =	sadd.s32 $0x4, s10;
	[tilespmem:s12+$0x0] =	vst v0  }
0x13c: {  	v13 =	vld [tilespmem:s11+$0x500];
	_ =	sdelay $0x4  }
0x13d: {  	(v2sf) =	vpush v13, $0x0;
	_ =	sdelay $0xc  }
0x13e: {  	s2 =	sadd.s32 $0x1, s2  }
0x13f: {  	p0 =	sne.s32 s2, $0x7D  }
.Ltmp3:
0x140: {  	s10 =	spop (v2sf);
	(pc) =	sbr.rel @p0 .LBB2_4-.Ltmp3, $4  }
0x141: {  	s10 =	sshll.u32 s10, $0x3  }
0x142: {  	s4 =	sadd.s32 $0x80, s4;
	s10 =	sand.u32 $0x70, s10  }
0x143: {  	s4 =	sadd.s32 s10, s4  }
0x144: {  	[tilespmem:s4+$0x0] =	vst v0  }
0x145: {  	s0 =	stileid.u32;
	s5 =	sadd.s32 $0x1, s5  }
0x146: {  	[bflag:$0x0] =	sbarrier.arrive $0xFFFF;
	s0 =	sshll.u32 s0, $0x6;
	p0 =	sne.s32 s5, s20  }
.Ltmp4:
0x147: {  	s2 =	sshrl.u32 s9, $0x3;
	s0 =	sor.u32 $0x1C03, s0;
	(pc) =	sbr.rel @p0 .LBB2_1-.Ltmp4, $4  }
0x148: {  	[hbm:s19], [sflag:s0] =	dma.local [spmem:s2], $0x2A80  }
0x149: {  	_ =	swait.ge [sflag:s22], $0x2A80  }
0x14a: {  	[sflag:s22] =	ssyncset.done $0x0  }
0x14b: {  	[sflag:s22] =	ssyncadd.s32 $0xFFFFD580  }
0x14c: {  	_ =	sfence.sel $0x180000  }
0x14d: {  	[bflag:$0x0] =	sbarrier.arrive $0xFFFF  }
0x14e: {  	_ =	strace $0x90000047  }
0x14f: {  	s0 =	stileid.u32;
	[bflag:$0x2] =	sbarrier.arrive $0xFFFF  }
0x150: {  	p0 =	sne.s32 s0, $0x0;
	s0 =	rddreg [dreg:$0x4]  }
0x151: {  	s0 =	sadd.s32 @!p0 $0x100000, s0  }
0x152: {  	[sflag:s0] =	ssyncadd.tile.s32 @!p0 $0x1;
	_ =	shalt  }
.Lfunc_end2:
_tile_overlayer_lowered:
.L_overlay_start_2:
0x153: {  	(tag) =	ssettag $0x2  }
0x154: {  	s0 =	rddreg [dreg:$0x0];
	s2 =	stileid.u32  }
0x155: {  	s1 =	rddreg [dreg:$0x1];
	p0 =	sne.s32 s2, $0x0  }
0x156: {  	s3 =	rddreg [dreg:$0x2];
	[bflag:$0x3] =	sbarrier.arrive $0xFFFF;
	s2 =	simm.s32 @!p0 $0x1C03  }
0x157: {  	[timem:s3], [sflag:s2] =	dma.local @!p0 [hbm:s0], s1  }
0x158: {  	s0 =	simm.s32 @!p0 $0x3  }
0x159: {  	_ =	swait.ge @!p0 [sflag:s0], s1  }
0x15a: {  	s1 =	ssub.s32 @!p0 $0x0, s1;
	[sflag:s0] =	ssyncset.done @!p0 $0x0  }
0x15b: {  	[sflag:s0] =	ssyncadd.s32 @!p0 s1  }
0x15c: {  	[bflag:$0x3] =	sbarrier.arrive $0xFFFF  }
0x15d: {  	_ =	shalt  }

</sc_bundles>
